<compile_context>
chip_gen: v7x
topology: tpu7x:2x2x1
jax: 0.10.2.dev20260603
libtpu: 0.0.44.dev20260713+nightly
codegen_flags: <defaults>
</compile_context>

<pallas_src>
import functools

import jax
import jax.numpy as jnp
from jax import lax
from jax.experimental import pallas as pl
from jax.experimental.pallas import tpu as pltpu
from jax.experimental.pallas import tpu_sc as plsc

_THRESH = 0.7
_MIN_KEPT = 10000

_ROWS = 8192
_COLS = 512
_N = _ROWS * _COLS

_R_SC = 3072
_R_TC = _ROWS - _R_SC
_N_SC = _R_SC * _COLS

_BLOCK_ROWS = 1024
_TC_OFF = _R_SC // _BLOCK_ROWS
_TC_GRID = _R_TC // _BLOCK_ROWS

_NC = 2
_NS = 16
_LANES = 16
_NW = _NC * _NS
_ROWS_W = _R_SC // _NW
_CHR = 32
_CH = _CHR * _COLS
_NCHUNK = _ROWS_W // _CHR

_T_HI = 0.8472978603872037

_L1P_C0 = 0.9996203753455163
_L1P_C1 = -0.48664306404532276
_L1P_C2 = 0.25462220684705594
_L1P_C3 = -0.07473614766179369


def _chunk_reduce(x_ref, y_ref, s_acc, n_acc):

    def step(i, carry):
        s, n = carry
        r = i >> 5
        c = (i & 31) * _LANES
        x = x_ref[r, pl.ds(c, _LANES)]
        y = y_ref[r, pl.ds(c, _LANES)]
        ybits = lax.bitcast_convert_type(y, jnp.uint32)
        xbits = lax.bitcast_convert_type(x, jnp.uint32)
        z = lax.bitcast_convert_type(xbits ^ (ybits << 8), jnp.float32)
        u = jnp.exp(-jnp.abs(z))
        sp = u * (_L1P_C0 + u * (_L1P_C1 + u * (_L1P_C2 + u * _L1P_C3)))
        kept = z >= -_T_HI
        per = jnp.maximum(z, 0.0) + sp
        s = s + jnp.where(kept, per, 0.0)
        n = n + jnp.where(kept, 1.0, 0.0)
        return s, n

    return lax.fori_loop(0, _CH // _LANES, step, (s_acc, n_acc))


def _sc_sums(x2d, y2d):
    mesh = plsc.VectorSubcoreMesh(core_axis_name="c", subcore_axis_name="s")

    @functools.partial(
        pl.kernel,
        out_type=jax.ShapeDtypeStruct((2, _NW, _LANES), jnp.float32),
        mesh=mesh,
        compiler_params=pltpu.CompilerParams(
            use_tc_tiling_on_sc=True, skip_device_barrier=True),
        cost_estimate=pl.CostEstimate(
            flops=20 * _N_SC,
            transcendentals=_N_SC,
            bytes_accessed=8 * _N_SC,
        ),
        scratch_types=[
            pltpu.VMEM((_CHR, _COLS), jnp.float32),
            pltpu.VMEM((_CHR, _COLS), jnp.float32),
            pltpu.VMEM((_CHR, _COLS), jnp.float32),
            pltpu.VMEM((_CHR, _COLS), jnp.float32),
            pltpu.VMEM((_LANES,), jnp.float32),
            pltpu.VMEM((_LANES,), jnp.float32),
            pltpu.SemaphoreType.DMA,
            pltpu.SemaphoreType.DMA,
            pltpu.SemaphoreType.DMA,
            pltpu.SemaphoreType.DMA,
        ],
    )
    def k(x_hbm, y_hbm, sn_out, xb0, yb0, xb1, yb1, sv, nv,
          sx0, sy0, sx1, sy1):
        wid = lax.axis_index("s") * _NC + lax.axis_index("c")
        base = wid * _ROWS_W
        xbufs = (xb0, xb1)
        ybufs = (yb0, yb1)
        sxs = (sx0, sx1)
        sys_ = (sy0, sy1)

        handles = {
            0: (
                pltpu.async_copy(x_hbm.at[pl.ds(base, _CHR)], xb0, sx0),
                pltpu.async_copy(y_hbm.at[pl.ds(base, _CHR)], yb0, sy0),
            )
        }
        s_acc = jnp.zeros((_LANES,), jnp.float32)
        n_acc = jnp.zeros((_LANES,), jnp.float32)
        for ch in range(_NCHUNK):
            cur = ch % 2
            if ch + 1 < _NCHUNK:
                nxt = (ch + 1) % 2
                off = base + (ch + 1) * _CHR
                handles[ch + 1] = (
                    pltpu.async_copy(x_hbm.at[pl.ds(off, _CHR)], xbufs[nxt], sxs[nxt]),
                    pltpu.async_copy(y_hbm.at[pl.ds(off, _CHR)], ybufs[nxt], sys_[nxt]),
                )
            hx, hy = handles.pop(ch)
            hx.wait()
            hy.wait()
            s_acc, n_acc = _chunk_reduce(xbufs[cur], ybufs[cur], s_acc, n_acc)

        sv[...] = s_acc
        nv[...] = n_acc
        pltpu.sync_copy(sv, sn_out.at[0, wid])
        pltpu.sync_copy(nv, sn_out.at[1, wid])

    return k(x2d, y2d)


def _tc_body(x_ref, y_ref, s_ref, n_ref):
    i = pl.program_id(0)
    x = x_ref[...]
    y = y_ref[...]
    z = x * (1.0 - 2.0 * y)
    kept = (z >= -_T_HI).astype(jnp.float32)
    u = jnp.exp(-jnp.abs(z))
    sp = u * (_L1P_C0 + u * (_L1P_C1 + u * (_L1P_C2 + u * _L1P_C3)))
    per = jnp.maximum(z, 0.0) + sp

    @pl.when(i == 0)
    def _init():
        s_ref[...] = jnp.zeros((1, 1), jnp.float32)
        n_ref[...] = jnp.zeros((1, 1), jnp.float32)

    s_ref[...] += jnp.sum(per * kept).reshape(1, 1)
    n_ref[...] += jnp.sum(kept).reshape(1, 1)


def _tc_sums(x, y):
    in_spec = pl.BlockSpec((_BLOCK_ROWS, _COLS), lambda i: (i + _TC_OFF, 0))
    out_spec = pl.BlockSpec((1, 1), lambda i: (0, 0))
    s, n = pl.pallas_call(
        _tc_body,
        grid=(_TC_GRID,),
        in_specs=[in_spec, in_spec],
        out_specs=[out_spec, out_spec],
        out_shape=[
            jax.ShapeDtypeStruct((1, 1), jnp.float32),
            jax.ShapeDtypeStruct((1, 1), jnp.float32),
        ],
        cost_estimate=pl.CostEstimate(
            flops=15 * _R_TC * _COLS,
            transcendentals=_R_TC * _COLS,
            bytes_accessed=8 * _R_TC * _COLS,
        ),
    )(x, y)
    return s[0, 0], n[0, 0]


def _bce_terms(x, y):
    p = jax.nn.sigmoid(x)
    kept = ((y == 1.0) & (p <= _THRESH)) | ((y == 0.0) & (p >= 1.0 - _THRESH))
    per = jnp.maximum(x, 0.0) - x * y + jnp.log1p(jnp.exp(-jnp.abs(x)))
    return per, kept.astype(jnp.float32)


def _fallback_loss(ops):
    x, y, s, n = ops
    p = jax.nn.sigmoid(x)
    per, kf = _bce_terms(x, y)
    per = per.reshape(-1)
    kf = kf.reshape(-1)
    h = jnp.abs(p - 0.5).reshape(-1)
    hb = lax.bitcast_convert_type(h, jnp.int32)
    k = jnp.int32(_MIN_KEPT)

    def bit_step(i, t):
        cand = t | (jnp.int32(1) << (30 - i))
        cnt = jnp.sum((hb < cand).astype(jnp.int32))
        return jnp.where(cnt < k, cand, t)

    t_bits = lax.fori_loop(0, 31, bit_step, jnp.int32(0))

    tie = hb == t_bits
    m = k - jnp.sum((hb < t_bits).astype(jnp.int32))
    idx = lax.iota(jnp.int32, h.shape[0])

    def idx_step(i, c):
        cand = c | (jnp.int32(1) << (22 - i))
        cnt = jnp.sum((tie & (idx < cand)).astype(jnp.int32))
        return jnp.where(cnt < m, cand, c)

    c_idx = lax.fori_loop(0, 23, idx_step, jnp.int32(0))

    sel = (hb < t_bits) | (tie & (idx <= c_idx))
    extra = jnp.where(sel, 1.0 - kf, 0.0)
    s2 = s + jnp.sum(per * extra)
    n2 = n + jnp.sum(extra)
    return s2 / jnp.maximum(n2, 1.0)


def _main_loss(ops):
    _, _, s, n = ops
    return s / jnp.maximum(n, 1.0)


def kernel(input, target):
    x = input.reshape(_ROWS, _COLS)
    y = target.reshape(_ROWS, _COLS).astype(jnp.float32)
    sn_p = _sc_sums(x, y)
    s_tc, n_tc = _tc_sums(x, y)
    sn = jnp.sum(sn_p, axis=(1, 2))
    s = sn[0] + s_tc
    n = sn[1] + n_tc
    return lax.cond(n < _MIN_KEPT, _fallback_loss, _main_loss, (x, y, s, n))

# --- scband reference (transcript-rebuilt; emitter-appended) ---
"""Pipeline reference for scband-ohembceloss-7610682048700 (READ-ONLY COPY).

The authoritative reference and input builder live on the scoring server;
editing this copy changes nothing except your own understanding.
"""

import jax, jax.numpy as jnp
import numpy as np

THRESH = 0.7
MIN_KEPT = 10000


def setup_inputs(seed: int = 0) -> dict:
    key = jax.random.key(seed)
    k1, k2 = jax.random.split(key)
    inp = jax.random.normal(k1, (16, 1, 512, 512), dtype=jnp.float32)
    tgt = jax.random.randint(k2, (16, 1, 512, 512), 0, 2).astype(jnp.float32)
    return {"input": inp, "target": tgt}


def _kept_mask(input, target):
    # probs = sigmoid(input)[:, 0, :, :]; ygt = target[:, 0, :, :]
    probs = jax.nn.sigmoid(input)[:, 0, :, :].astype(jnp.float32)
    ygt = target[:, 0, :, :].astype(jnp.float32)
    kept = jnp.zeros_like(probs, dtype=bool)
    # kept_flag[ygt==1] = probs[ygt==1] <= thresh
    kept = jnp.where(ygt == 1.0, probs <= THRESH, kept)
    # kept_flag[ygt==0] = probs[ygt==0] >= 1 - thresh
    kept = jnp.where(ygt == 0.0, probs >= (1.0 - THRESH), kept)
    # OHEM fallback: if too few kept, take the min_kept hardest (|p-0.5| smallest)
    flat_hard = jnp.abs(probs - 0.5).reshape(-1)
    hardest = jnp.argsort(flat_hard)[:MIN_KEPT]
    kept_fallback = kept.reshape(-1).at[hardest].set(True).reshape(kept.shape)
    kept = jnp.where(kept.sum() < MIN_KEPT, kept_fallback, kept)
    return kept


def _bce_with_logits_mean(x, y, mask_f):
    # numerically-stable BCEWithLogits per element, mean over kept elements
    per = jnp.maximum(x, 0.0) - x * y + jnp.log1p(jnp.exp(-jnp.abs(x)))
    s = jnp.sum(per * mask_f)
    n = jnp.maximum(jnp.sum(mask_f), 1.0)
    return s / n


def reference(input, target):
    kept = _kept_mask(input, target)
    x = input[:, 0, :, :]
    y = target[:, 0, :, :].astype(jnp.float32)
    return _bce_with_logits_mean(x, y, kept.astype(jnp.float32))

if __name__ == "__main__":
    import jax
    _d = setup_inputs()
    print(jax.jit(kernel)(*tuple(_d.values())))

</pallas_src>

<mosaic_0001>
#map = affine_map<(d0, d1) -> (0, 0)>
#map1 = affine_map<(d0, d1) -> (0, 0, 0)>
module attributes {stable_mosaic.version = 14 : i64} {
  func.func @k(%arg0: i32, %arg1: i32, %arg2: memref<8192x512xf32, #tpu.memory_space<hbm>>, %arg3: memref<8192x512xf32, #tpu.memory_space<hbm>>, %arg4: memref<2x32x16xf32, #tpu.memory_space<hbm>>, %arg5: memref<32x512xf32, #tpu.memory_space<vmem>>, %arg6: memref<32x512xf32, #tpu.memory_space<vmem>>, %arg7: memref<32x512xf32, #tpu.memory_space<vmem>>, %arg8: memref<32x512xf32, #tpu.memory_space<vmem>>, %arg9: memref<16xf32, #tpu.memory_space<vmem>>, %arg10: memref<16xf32, #tpu.memory_space<vmem>>, %arg11: memref<!tpu.dma_semaphore, #tpu.memory_space<semaphore_mem>>, %arg12: memref<!tpu.dma_semaphore, #tpu.memory_space<semaphore_mem>>, %arg13: memref<!tpu.dma_semaphore, #tpu.memory_space<semaphore_mem>>, %arg14: memref<!tpu.dma_semaphore, #tpu.memory_space<semaphore_mem>>) attributes {dimension_semantics = [#tpu.dimension_semantics<core_parallel>, #tpu.dimension_semantics<subcore_parallel>], iteration_bounds = array<i64: 2, 16>, scalar_prefetch = 0 : i64, scratch_operands = 10 : i64, tpu.core_type = #tpu.core_type<sc_vector_subcore>, window_params = [{transform_indices = #map}, {transform_indices = #map}, {transform_indices = #map1}]} {
    %mul3A = arith.constant 2 : i32
    %mul3A_0 = arith.muli %arg1, %mul3A : i32
    %add3A = arith.addi %mul3A_0, %arg0 : i32
    %mul3A_1 = arith.constant 96 : i32
    %mul3A_2 = arith.muli %add3A, %mul3A_1 : i32
    %dma_start3A = arith.constant 0 : i32
    %dma_start3A_3 = tpu.memref_slice %arg2[%mul3A_2, %dma_start3A] : memref<8192x512xf32, #tpu.memory_space<hbm>> -> memref<32x512xf32, #tpu.memory_space<hbm>>
    %dma_start3A_4 = arith.constant 0 : i32
    %dma_start3A_5 = tpu.memref_slice %arg2[%mul3A_2, %dma_start3A_4] : memref<8192x512xf32, #tpu.memory_space<hbm>> -> memref<32x512xf32, #tpu.memory_space<hbm>>
    tpu.enqueue_dma source(%dma_start3A_5 : memref<32x512xf32, #tpu.memory_space<hbm>>) target(%arg5 : memref<32x512xf32, #tpu.memory_space<vmem>>) target_semaphore(%arg11 : memref<!tpu.dma_semaphore, #tpu.memory_space<semaphore_mem>>)
    %dma_start3A_6 = arith.constant 0 : i32
    %dma_start3A_7 = tpu.memref_slice %arg3[%mul3A_2, %dma_start3A_6] : memref<8192x512xf32, #tpu.memory_space<hbm>> -> memref<32x512xf32, #tpu.memory_space<hbm>>
    %dma_start3A_8 = arith.constant 0 : i32
    %dma_start3A_9 = tpu.memref_slice %arg3[%mul3A_2, %dma_start3A_8] : memref<8192x512xf32, #tpu.memory_space<hbm>> -> memref<32x512xf32, #tpu.memory_space<hbm>>
    tpu.enqueue_dma source(%dma_start3A_9 : memref<32x512xf32, #tpu.memory_space<hbm>>) target(%arg6 : memref<32x512xf32, #tpu.memory_space<vmem>>) target_semaphore(%arg12 : memref<!tpu.dma_semaphore, #tpu.memory_space<semaphore_mem>>)
    %broadcast_in_dim3A = arith.constant 0.000000e+00 : f32
    %broadcast_in_dim3A_10 = vector.broadcast %broadcast_in_dim3A : f32 to vector<16xf32>
    %broadcast_in_dim3A_11 = arith.constant 0.000000e+00 : f32
    %broadcast_in_dim3A_12 = vector.broadcast %broadcast_in_dim3A_11 : f32 to vector<16xf32>
    %add3A_13 = arith.constant 32 : i32
    %add3A_14 = arith.addi %mul3A_2, %add3A_13 : i32
    %dma_start3A_15 = arith.constant 0 : i32
    %dma_start3A_16 = tpu.memref_slice %arg2[%add3A_14, %dma_start3A_15] : memref<8192x512xf32, #tpu.memory_space<hbm>> -> memref<32x512xf32, #tpu.memory_space<hbm>>
    %dma_start3A_17 = arith.constant 0 : i32
    %dma_start3A_18 = tpu.memref_slice %arg2[%add3A_14, %dma_start3A_17] : memref<8192x512xf32, #tpu.memory_space<hbm>> -> memref<32x512xf32, #tpu.memory_space<hbm>>
    tpu.enqueue_dma source(%dma_start3A_18 : memref<32x512xf32, #tpu.memory_space<hbm>>) target(%arg7 : memref<32x512xf32, #tpu.memory_space<vmem>>) target_semaphore(%arg13 : memref<!tpu.dma_semaphore, #tpu.memory_space<semaphore_mem>>)
    %dma_start3A_19 = arith.constant 0 : i32
    %dma_start3A_20 = tpu.memref_slice %arg3[%add3A_14, %dma_start3A_19] : memref<8192x512xf32, #tpu.memory_space<hbm>> -> memref<32x512xf32, #tpu.memory_space<hbm>>
    %dma_start3A_21 = arith.constant 0 : i32
    %dma_start3A_22 = tpu.memref_slice %arg3[%add3A_14, %dma_start3A_21] : memref<8192x512xf32, #tpu.memory_space<hbm>> -> memref<32x512xf32, #tpu.memory_space<hbm>>
    tpu.enqueue_dma source(%dma_start3A_22 : memref<32x512xf32, #tpu.memory_space<hbm>>) target(%arg8 : memref<32x512xf32, #tpu.memory_space<vmem>>) target_semaphore(%arg14 : memref<!tpu.dma_semaphore, #tpu.memory_space<semaphore_mem>>)
    %dma_wait3A = arith.constant 0 : i32
    %dma_wait3A_23 = tpu.memref_slice %arg2[%mul3A_2, %dma_wait3A] : memref<8192x512xf32, #tpu.memory_space<hbm>> -> memref<32x512xf32, #tpu.memory_space<hbm>>
    %dma_wait3A_24 = arith.constant 0 : i32
    %dma_wait3A_25 = tpu.memref_slice %arg2[%mul3A_2, %dma_wait3A_24] : memref<8192x512xf32, #tpu.memory_space<hbm>> -> memref<32x512xf32, #tpu.memory_space<hbm>>
    tpu.wait_dma2 semaphore(%arg11 : memref<!tpu.dma_semaphore, #tpu.memory_space<semaphore_mem>>) src(%dma_wait3A_25 : memref<32x512xf32, #tpu.memory_space<hbm>>) dst(%arg5 : memref<32x512xf32, #tpu.memory_space<vmem>>)
    %dma_wait3A_26 = arith.constant 0 : i32
    %dma_wait3A_27 = tpu.memref_slice %arg3[%mul3A_2, %dma_wait3A_26] : memref<8192x512xf32, #tpu.memory_space<hbm>> -> memref<32x512xf32, #tpu.memory_space<hbm>>
    %dma_wait3A_28 = arith.constant 0 : i32
    %dma_wait3A_29 = tpu.memref_slice %arg3[%mul3A_2, %dma_wait3A_28] : memref<8192x512xf32, #tpu.memory_space<hbm>> -> memref<32x512xf32, #tpu.memory_space<hbm>>
    tpu.wait_dma2 semaphore(%arg12 : memref<!tpu.dma_semaphore, #tpu.memory_space<semaphore_mem>>) src(%dma_wait3A_29 : memref<32x512xf32, #tpu.memory_space<hbm>>) dst(%arg6 : memref<32x512xf32, #tpu.memory_space<vmem>>)
    %scan3A = arith.constant 0 : i32
    %scan3A_30 = arith.constant 1024 : i32
    %scan3A_31 = arith.addi %scan3A, %scan3A_30 : i32
    %scan3A_32 = arith.constant 1 : i32
    %scan3A_33:2 = scf.for %scan3A_81 = %scan3A to %scan3A_31 step %scan3A_32 iter_args(%scan3A_82 = %broadcast_in_dim3A_10, %scan3A_83 = %broadcast_in_dim3A_12) -> (vector<16xf32>, vector<16xf32>)  : i32 {
      %shift_right_arithmetic3A = arith.constant 5 : i32
      %shift_right_arithmetic3A_84 = arith.shrsi %scan3A_81, %shift_right_arithmetic3A : i32
      %and3A = arith.constant 31 : i32
      %and3A_85 = arith.andi %scan3A_81, %and3A : i32
      %mul3A_86 = arith.constant 16 : i32
      %mul3A_87 = arith.muli %and3A_85, %mul3A_86 : i32
      %get3A = arith.index_cast %shift_right_arithmetic3A_84 : i32 to index
      %get3A_88 = arith.index_cast %mul3A_87 : i32 to index
      %get3A_89 = tpu.vector_load %arg5[%get3A, %get3A_88] {strides = array<i32>} : memref<32x512xf32, #tpu.memory_space<vmem>>, vector<1x16xf32>,
      %get3A_90 = vector.shape_cast %get3A_89 : vector<1x16xf32> to vector<16xf32>
      %get3A_91 = arith.index_cast %shift_right_arithmetic3A_84 : i32 to index
      %get3A_92 = arith.index_cast %mul3A_87 : i32 to index
      %get3A_93 = tpu.vector_load %arg6[%get3A_91, %get3A_92] {strides = array<i32>} : memref<32x512xf32, #tpu.memory_space<vmem>>, vector<1x16xf32>,
      %get3A_94 = vector.shape_cast %get3A_93 : vector<1x16xf32> to vector<16xf32>
      %bitcast_convert_type3A = tpu.bitcast %get3A_94 : vector<16xf32> -> vector<16xi32>
      %bitcast_convert_type3A_95 = tpu.bitcast %get3A_90 : vector<16xf32> -> vector<16xi32>
      %shift_left3A = arith.constant 8 : i32
      %shift_left3A_96 = vector.broadcast %shift_left3A : i32 to vector<16xi32>
      %shift_left3A_97 = arith.shli %bitcast_convert_type3A, %shift_left3A_96 : vector<16xi32>
      %xor3A = arith.xori %bitcast_convert_type3A_95, %shift_left3A_97 : vector<16xi32>
      %bitcast_convert_type3A_98 = tpu.bitcast %xor3A : vector<16xi32> -> vector<16xf32>
      %abs3A = math.absf %bitcast_convert_type3A_98 : vector<16xf32>
      %neg3A = arith.constant 0.000000e+00 : f32
      %neg3A_99 = vector.broadcast %neg3A : f32 to vector<16xf32>
      %neg3A_100 = arith.subf %neg3A_99, %abs3A : vector<16xf32>
      %exp3A = math.exp %neg3A_100 : vector<16xf32>
      %mul3A_101 = arith.constant -0.0747361481 : f32
      %mul3A_102 = vector.broadcast %mul3A_101 : f32 to vector<16xf32>
      %mul3A_103 = arith.mulf %exp3A, %mul3A_102 : vector<16xf32>
      %add3A_104 = arith.constant 0.254622221 : f32
      %add3A_105 = vector.broadcast %add3A_104 : f32 to vector<16xf32>
      %add3A_106 = arith.addf %add3A_105, %mul3A_103 : vector<16xf32>
      %mul3A_107 = arith.mulf %exp3A, %add3A_106 : vector<16xf32>
      %add3A_108 = arith.constant -0.486643076 : f32
      %add3A_109 = vector.broadcast %add3A_108 : f32 to vector<16xf32>
      %add3A_110 = arith.addf %add3A_109, %mul3A_107 : vector<16xf32>
      %mul3A_111 = arith.mulf %exp3A, %add3A_110 : vector<16xf32>
      %add3A_112 = arith.constant 0.999620378 : f32
      %add3A_113 = vector.broadcast %add3A_112 : f32 to vector<16xf32>
      %add3A_114 = arith.addf %add3A_113, %mul3A_111 : vector<16xf32>
      %mul3A_115 = arith.mulf %exp3A, %add3A_114 : vector<16xf32>
      %ge3A = arith.constant -0.847297847 : f32
      %ge3A_116 = vector.broadcast %ge3A : f32 to vector<16xf32>
      %ge3A_117 = arith.cmpf oge, %bitcast_convert_type3A_98, %ge3A_116 : vector<16xf32>
      %max3A = arith.constant 0.000000e+00 : f32
      %max3A_118 = vector.broadcast %max3A : f32 to vector<16xf32>
      %max3A_119 = arith.maximumf %bitcast_convert_type3A_98, %max3A_118 : vector<16xf32>
      %add3A_120 = arith.addf %max3A_119, %mul3A_115 : vector<16xf32>
      %jit3A = arith.constant 0.000000e+00 : f32
      %broadcast_in_dim3A_121 = vector.broadcast %jit3A : f32 to vector<16xf32>
      %select_n3A = arith.select %ge3A_117, %add3A_120, %broadcast_in_dim3A_121 : vector<16xi1>, vector<16xf32>
      %add3A_122 = arith.addf %scan3A_82, %select_n3A : vector<16xf32>
      %jit3A_123 = arith.constant 1.000000e+00 : f32
      %jit3A_124 = arith.constant 0.000000e+00 : f32
      %broadcast_in_dim3A_125 = vector.broadcast %jit3A_123 : f32 to vector<16xf32>
      %broadcast_in_dim3A_126 = vector.broadcast %jit3A_124 : f32 to vector<16xf32>
      %select_n3A_127 = arith.select %ge3A_117, %broadcast_in_dim3A_125, %broadcast_in_dim3A_126 : vector<16xi1>, vector<16xf32>
      %add3A_128 = arith.addf %scan3A_83, %select_n3A_127 : vector<16xf32>
      scf.yield %add3A_122, %add3A_128 : vector<16xf32>, vector<16xf32>
    }
    %scan3A_34 = arith.constant 1024 : i32
    %add3A_35 = arith.constant 64 : i32
    %add3A_36 = arith.addi %mul3A_2, %add3A_35 : i32
    %dma_start3A_37 = arith.constant 0 : i32
    %dma_start3A_38 = tpu.memref_slice %arg2[%add3A_36, %dma_start3A_37] : memref<8192x512xf32, #tpu.memory_space<hbm>> -> memref<32x512xf32, #tpu.memory_space<hbm>>
    %dma_start3A_39 = arith.constant 0 : i32
    %dma_start3A_40 = tpu.memref_slice %arg2[%add3A_36, %dma_start3A_39] : memref<8192x512xf32, #tpu.memory_space<hbm>> -> memref<32x512xf32, #tpu.memory_space<hbm>>
    tpu.enqueue_dma source(%dma_start3A_40 : memref<32x512xf32, #tpu.memory_space<hbm>>) target(%arg5 : memref<32x512xf32, #tpu.memory_space<vmem>>) target_semaphore(%arg11 : memref<!tpu.dma_semaphore, #tpu.memory_space<semaphore_mem>>)
    %dma_start3A_41 = arith.constant 0 : i32
    %dma_start3A_42 = tpu.memref_slice %arg3[%add3A_36, %dma_start3A_41] : memref<8192x512xf32, #tpu.memory_space<hbm>> -> memref<32x512xf32, #tpu.memory_space<hbm>>
    %dma_start3A_43 = arith.constant 0 : i32
    %dma_start3A_44 = tpu.memref_slice %arg3[%add3A_36, %dma_start3A_43] : memref<8192x512xf32, #tpu.memory_space<hbm>> -> memref<32x512xf32, #tpu.memory_space<hbm>>
    tpu.enqueue_dma source(%dma_start3A_44 : memref<32x512xf32, #tpu.memory_space<hbm>>) target(%arg6 : memref<32x512xf32, #tpu.memory_space<vmem>>) target_semaphore(%arg12 : memref<!tpu.dma_semaphore, #tpu.memory_space<semaphore_mem>>)
    %dma_wait3A_45 = arith.constant 0 : i32
    %dma_wait3A_46 = tpu.memref_slice %arg2[%add3A_14, %dma_wait3A_45] : memref<8192x512xf32, #tpu.memory_space<hbm>> -> memref<32x512xf32, #tpu.memory_space<hbm>>
    %dma_wait3A_47 = arith.constant 0 : i32
    %dma_wait3A_48 = tpu.memref_slice %arg2[%add3A_14, %dma_wait3A_47] : memref<8192x512xf32, #tpu.memory_space<hbm>> -> memref<32x512xf32, #tpu.memory_space<hbm>>
    tpu.wait_dma2 semaphore(%arg13 : memref<!tpu.dma_semaphore, #tpu.memory_space<semaphore_mem>>) src(%dma_wait3A_48 : memref<32x512xf32, #tpu.memory_space<hbm>>) dst(%arg7 : memref<32x512xf32, #tpu.memory_space<vmem>>)
    %dma_wait3A_49 = arith.constant 0 : i32
    %dma_wait3A_50 = tpu.memref_slice %arg3[%add3A_14, %dma_wait3A_49] : memref<8192x512xf32, #tpu.memory_space<hbm>> -> memref<32x512xf32, #tpu.memory_space<hbm>>
    %dma_wait3A_51 = arith.constant 0 : i32
    %dma_wait3A_52 = tpu.memref_slice %arg3[%add3A_14, %dma_wait3A_51] : memref<8192x512xf32, #tpu.memory_space<hbm>> -> memref<32x512xf32, #tpu.memory_space<hbm>>
    tpu.wait_dma2 semaphore(%arg14 : memref<!tpu.dma_semaphore, #tpu.memory_space<semaphore_mem>>) src(%dma_wait3A_52 : memref<32x512xf32, #tpu.memory_space<hbm>>) dst(%arg8 : memref<32x512xf32, #tpu.memory_space<vmem>>)
    %scan3A_53 = arith.constant 0 : i32
    %scan3A_54 = arith.constant 1024 : i32
    %scan3A_55 = arith.addi %scan3A_53, %scan3A_54 : i32
    %scan3A_56 = arith.constant 1 : i32
    %scan3A_57:2 = scf.for %scan3A_81 = %scan3A_53 to %scan3A_55 step %scan3A_56 iter_args(%scan3A_82 = %scan3A_33#0, %scan3A_83 = %scan3A_33#1) -> (vector<16xf32>, vector<16xf32>)  : i32 {
      %shift_right_arithmetic3A = arith.constant 5 : i32
      %shift_right_arithmetic3A_84 = arith.shrsi %scan3A_81, %shift_right_arithmetic3A : i32
      %and3A = arith.constant 31 : i32
      %and3A_85 = arith.andi %scan3A_81, %and3A : i32
      %mul3A_86 = arith.constant 16 : i32
      %mul3A_87 = arith.muli %and3A_85, %mul3A_86 : i32
      %get3A = arith.index_cast %shift_right_arithmetic3A_84 : i32 to index
      %get3A_88 = arith.index_cast %mul3A_87 : i32 to index
      %get3A_89 = tpu.vector_load %arg7[%get3A, %get3A_88] {strides = array<i32>} : memref<32x512xf32, #tpu.memory_space<vmem>>, vector<1x16xf32>,
      %get3A_90 = vector.shape_cast %get3A_89 : vector<1x16xf32> to vector<16xf32>
      %get3A_91 = arith.index_cast %shift_right_arithmetic3A_84 : i32 to index
      %get3A_92 = arith.index_cast %mul3A_87 : i32 to index
      %get3A_93 = tpu.vector_load %arg8[%get3A_91, %get3A_92] {strides = array<i32>} : memref<32x512xf32, #tpu.memory_space<vmem>>, vector<1x16xf32>,
      %get3A_94 = vector.shape_cast %get3A_93 : vector<1x16xf32> to vector<16xf32>
      %bitcast_convert_type3A = tpu.bitcast %get3A_94 : vector<16xf32> -> vector<16xi32>
      %bitcast_convert_type3A_95 = tpu.bitcast %get3A_90 : vector<16xf32> -> vector<16xi32>
      %shift_left3A = arith.constant 8 : i32
      %shift_left3A_96 = vector.broadcast %shift_left3A : i32 to vector<16xi32>
      %shift_left3A_97 = arith.shli %bitcast_convert_type3A, %shift_left3A_96 : vector<16xi32>
      %xor3A = arith.xori %bitcast_convert_type3A_95, %shift_left3A_97 : vector<16xi32>
      %bitcast_convert_type3A_98 = tpu.bitcast %xor3A : vector<16xi32> -> vector<16xf32>
      %abs3A = math.absf %bitcast_convert_type3A_98 : vector<16xf32>
      %neg3A = arith.constant 0.000000e+00 : f32
      %neg3A_99 = vector.broadcast %neg3A : f32 to vector<16xf32>
      %neg3A_100 = arith.subf %neg3A_99, %abs3A : vector<16xf32>
      %exp3A = math.exp %neg3A_100 : vector<16xf32>
      %mul3A_101 = arith.constant -0.0747361481 : f32
      %mul3A_102 = vector.broadcast %mul3A_101 : f32 to vector<16xf32>
      %mul3A_103 = arith.mulf %exp3A, %mul3A_102 : vector<16xf32>
      %add3A_104 = arith.constant 0.254622221 : f32
      %add3A_105 = vector.broadcast %add3A_104 : f32 to vector<16xf32>
      %add3A_106 = arith.addf %add3A_105, %mul3A_103 : vector<16xf32>
      %mul3A_107 = arith.mulf %exp3A, %add3A_106 : vector<16xf32>
      %add3A_108 = arith.constant -0.486643076 : f32
      %add3A_109 = vector.broadcast %add3A_108 : f32 to vector<16xf32>
      %add3A_110 = arith.addf %add3A_109, %mul3A_107 : vector<16xf32>
      %mul3A_111 = arith.mulf %exp3A, %add3A_110 : vector<16xf32>
      %add3A_112 = arith.constant 0.999620378 : f32
      %add3A_113 = vector.broadcast %add3A_112 : f32 to vector<16xf32>
      %add3A_114 = arith.addf %add3A_113, %mul3A_111 : vector<16xf32>
      %mul3A_115 = arith.mulf %exp3A, %add3A_114 : vector<16xf32>
      %ge3A = arith.constant -0.847297847 : f32
      %ge3A_116 = vector.broadcast %ge3A : f32 to vector<16xf32>
      %ge3A_117 = arith.cmpf oge, %bitcast_convert_type3A_98, %ge3A_116 : vector<16xf32>
      %max3A = arith.constant 0.000000e+00 : f32
      %max3A_118 = vector.broadcast %max3A : f32 to vector<16xf32>
      %max3A_119 = arith.maximumf %bitcast_convert_type3A_98, %max3A_118 : vector<16xf32>
      %add3A_120 = arith.addf %max3A_119, %mul3A_115 : vector<16xf32>
      %jit3A = arith.constant 0.000000e+00 : f32
      %broadcast_in_dim3A_121 = vector.broadcast %jit3A : f32 to vector<16xf32>
      %select_n3A = arith.select %ge3A_117, %add3A_120, %broadcast_in_dim3A_121 : vector<16xi1>, vector<16xf32>
      %add3A_122 = arith.addf %scan3A_82, %select_n3A : vector<16xf32>
      %jit3A_123 = arith.constant 1.000000e+00 : f32
      %jit3A_124 = arith.constant 0.000000e+00 : f32
      %broadcast_in_dim3A_125 = vector.broadcast %jit3A_123 : f32 to vector<16xf32>
      %broadcast_in_dim3A_126 = vector.broadcast %jit3A_124 : f32 to vector<16xf32>
      %select_n3A_127 = arith.select %ge3A_117, %broadcast_in_dim3A_125, %broadcast_in_dim3A_126 : vector<16xi1>, vector<16xf32>
      %add3A_128 = arith.addf %scan3A_83, %select_n3A_127 : vector<16xf32>
      scf.yield %add3A_122, %add3A_128 : vector<16xf32>, vector<16xf32>
    }
    %scan3A_58 = arith.constant 1024 : i32
    %dma_wait3A_59 = arith.constant 0 : i32
    %dma_wait3A_60 = tpu.memref_slice %arg2[%add3A_36, %dma_wait3A_59] : memref<8192x512xf32, #tpu.memory_space<hbm>> -> memref<32x512xf32, #tpu.memory_space<hbm>>
    %dma_wait3A_61 = arith.constant 0 : i32
    %dma_wait3A_62 = tpu.memref_slice %arg2[%add3A_36, %dma_wait3A_61] : memref<8192x512xf32, #tpu.memory_space<hbm>> -> memref<32x512xf32, #tpu.memory_space<hbm>>
    tpu.wait_dma2 semaphore(%arg11 : memref<!tpu.dma_semaphore, #tpu.memory_space<semaphore_mem>>) src(%dma_wait3A_62 : memref<32x512xf32, #tpu.memory_space<hbm>>) dst(%arg5 : memref<32x512xf32, #tpu.memory_space<vmem>>)
    %dma_wait3A_63 = arith.constant 0 : i32
    %dma_wait3A_64 = tpu.memref_slice %arg3[%add3A_36, %dma_wait3A_63] : memref<8192x512xf32, #tpu.memory_space<hbm>> -> memref<32x512xf32, #tpu.memory_space<hbm>>
    %dma_wait3A_65 = arith.constant 0 : i32
    %dma_wait3A_66 = tpu.memref_slice %arg3[%add3A_36, %dma_wait3A_65] : memref<8192x512xf32, #tpu.memory_space<hbm>> -> memref<32x512xf32, #tpu.memory_space<hbm>>
    tpu.wait_dma2 semaphore(%arg12 : memref<!tpu.dma_semaphore, #tpu.memory_space<semaphore_mem>>) src(%dma_wait3A_66 : memref<32x512xf32, #tpu.memory_space<hbm>>) dst(%arg6 : memref<32x512xf32, #tpu.memory_space<vmem>>)
    %scan3A_67 = arith.constant 0 : i32
    %scan3A_68 = arith.constant 1024 : i32
    %scan3A_69 = arith.addi %scan3A_67, %scan3A_68 : i32
    %scan3A_70 = arith.constant 1 : i32
    %scan3A_71:2 = scf.for %scan3A_81 = %scan3A_67 to %scan3A_69 step %scan3A_70 iter_args(%scan3A_82 = %scan3A_57#0, %scan3A_83 = %scan3A_57#1) -> (vector<16xf32>, vector<16xf32>)  : i32 {
      %shift_right_arithmetic3A = arith.constant 5 : i32
      %shift_right_arithmetic3A_84 = arith.shrsi %scan3A_81, %shift_right_arithmetic3A : i32
      %and3A = arith.constant 31 : i32
      %and3A_85 = arith.andi %scan3A_81, %and3A : i32
      %mul3A_86 = arith.constant 16 : i32
      %mul3A_87 = arith.muli %and3A_85, %mul3A_86 : i32
      %get3A = arith.index_cast %shift_right_arithmetic3A_84 : i32 to index
      %get3A_88 = arith.index_cast %mul3A_87 : i32 to index
      %get3A_89 = tpu.vector_load %arg5[%get3A, %get3A_88] {strides = array<i32>} : memref<32x512xf32, #tpu.memory_space<vmem>>, vector<1x16xf32>,
      %get3A_90 = vector.shape_cast %get3A_89 : vector<1x16xf32> to vector<16xf32>
      %get3A_91 = arith.index_cast %shift_right_arithmetic3A_84 : i32 to index
      %get3A_92 = arith.index_cast %mul3A_87 : i32 to index
      %get3A_93 = tpu.vector_load %arg6[%get3A_91, %get3A_92] {strides = array<i32>} : memref<32x512xf32, #tpu.memory_space<vmem>>, vector<1x16xf32>,
      %get3A_94 = vector.shape_cast %get3A_93 : vector<1x16xf32> to vector<16xf32>
      %bitcast_convert_type3A = tpu.bitcast %get3A_94 : vector<16xf32> -> vector<16xi32>
      %bitcast_convert_type3A_95 = tpu.bitcast %get3A_90 : vector<16xf32> -> vector<16xi32>
      %shift_left3A = arith.constant 8 : i32
      %shift_left3A_96 = vector.broadcast %shift_left3A : i32 to vector<16xi32>
      %shift_left3A_97 = arith.shli %bitcast_convert_type3A, %shift_left3A_96 : vector<16xi32>
      %xor3A = arith.xori %bitcast_convert_type3A_95, %shift_left3A_97 : vector<16xi32>
      %bitcast_convert_type3A_98 = tpu.bitcast %xor3A : vector<16xi32> -> vector<16xf32>
      %abs3A = math.absf %bitcast_convert_type3A_98 : vector<16xf32>
      %neg3A = arith.constant 0.000000e+00 : f32
      %neg3A_99 = vector.broadcast %neg3A : f32 to vector<16xf32>
      %neg3A_100 = arith.subf %neg3A_99, %abs3A : vector<16xf32>
      %exp3A = math.exp %neg3A_100 : vector<16xf32>
      %mul3A_101 = arith.constant -0.0747361481 : f32
      %mul3A_102 = vector.broadcast %mul3A_101 : f32 to vector<16xf32>
      %mul3A_103 = arith.mulf %exp3A, %mul3A_102 : vector<16xf32>
      %add3A_104 = arith.constant 0.254622221 : f32
      %add3A_105 = vector.broadcast %add3A_104 : f32 to vector<16xf32>
      %add3A_106 = arith.addf %add3A_105, %mul3A_103 : vector<16xf32>
      %mul3A_107 = arith.mulf %exp3A, %add3A_106 : vector<16xf32>
      %add3A_108 = arith.constant -0.486643076 : f32
      %add3A_109 = vector.broadcast %add3A_108 : f32 to vector<16xf32>
      %add3A_110 = arith.addf %add3A_109, %mul3A_107 : vector<16xf32>
      %mul3A_111 = arith.mulf %exp3A, %add3A_110 : vector<16xf32>
      %add3A_112 = arith.constant 0.999620378 : f32
      %add3A_113 = vector.broadcast %add3A_112 : f32 to vector<16xf32>
      %add3A_114 = arith.addf %add3A_113, %mul3A_111 : vector<16xf32>
      %mul3A_115 = arith.mulf %exp3A, %add3A_114 : vector<16xf32>
      %ge3A = arith.constant -0.847297847 : f32
      %ge3A_116 = vector.broadcast %ge3A : f32 to vector<16xf32>
      %ge3A_117 = arith.cmpf oge, %bitcast_convert_type3A_98, %ge3A_116 : vector<16xf32>
      %max3A = arith.constant 0.000000e+00 : f32
      %max3A_118 = vector.broadcast %max3A : f32 to vector<16xf32>
      %max3A_119 = arith.maximumf %bitcast_convert_type3A_98, %max3A_118 : vector<16xf32>
      %add3A_120 = arith.addf %max3A_119, %mul3A_115 : vector<16xf32>
      %jit3A = arith.constant 0.000000e+00 : f32
      %broadcast_in_dim3A_121 = vector.broadcast %jit3A : f32 to vector<16xf32>
      %select_n3A = arith.select %ge3A_117, %add3A_120, %broadcast_in_dim3A_121 : vector<16xi1>, vector<16xf32>
      %add3A_122 = arith.addf %scan3A_82, %select_n3A : vector<16xf32>
      %jit3A_123 = arith.constant 1.000000e+00 : f32
      %jit3A_124 = arith.constant 0.000000e+00 : f32
      %broadcast_in_dim3A_125 = vector.broadcast %jit3A_123 : f32 to vector<16xf32>
      %broadcast_in_dim3A_126 = vector.broadcast %jit3A_124 : f32 to vector<16xf32>
      %select_n3A_127 = arith.select %ge3A_117, %broadcast_in_dim3A_125, %broadcast_in_dim3A_126 : vector<16xi1>, vector<16xf32>
      %add3A_128 = arith.addf %scan3A_83, %select_n3A_127 : vector<16xf32>
      scf.yield %add3A_122, %add3A_128 : vector<16xf32>, vector<16xf32>
    }
    %scan3A_72 = arith.constant 1024 : i32
    %swap3A = arith.constant 0 : index
    %swap3A_73 = tpu.vector_load %arg9[%swap3A] {strides = array<i32>} : memref<16xf32, #tpu.memory_space<vmem>>, vector<16xf32>,
    %swap3A_74 = vector.shape_cast %swap3A_73 : vector<16xf32> to vector<16xf32>
    %swap3A_75 = vector.shape_cast %scan3A_71#0 : vector<16xf32> to vector<16xf32>
    tpu.vector_store %arg9[%swap3A], %swap3A_75 {strides = array<i32>} : memref<16xf32, #tpu.memory_space<vmem>>, vector<16xf32>,
    %swap3A_76 = arith.constant 0 : index
    %swap3A_77 = tpu.vector_load %arg10[%swap3A_76] {strides = array<i32>} : memref<16xf32, #tpu.memory_space<vmem>>, vector<16xf32>,
    %swap3A_78 = vector.shape_cast %swap3A_77 : vector<16xf32> to vector<16xf32>
    %swap3A_79 = vector.shape_cast %scan3A_71#1 : vector<16xf32> to vector<16xf32>
    tpu.vector_store %arg10[%swap3A_76], %swap3A_79 {strides = array<i32>} : memref<16xf32, #tpu.memory_space<vmem>>, vector<16xf32>,
    %run_scoped3A = arith.constant 0 : i32
    "tpu.region"() ({
      %run_scoped3A_81 = tpu.sem_alloc : memref<!tpu.dma_semaphore, #tpu.memory_space<semaphore_mem>>
      %dma_start3A_82 = arith.constant 0 : i32
      %dma_start3A_83 = tpu.memref_slice %arg4[%run_scoped3A, %add3A, %dma_start3A_82] : memref<2x32x16xf32, #tpu.memory_space<hbm>> -> memref<1x1x16xf32, #tpu.memory_space<hbm>>
      %dma_start3A_84 = tpu.memref_squeeze %dma_start3A_83 : memref<1x1x16xf32, #tpu.memory_space<hbm>> -> memref<16xf32, #tpu.memory_space<hbm>>
      %dma_start3A_85 = arith.constant 0 : i32
      %dma_start3A_86 = tpu.memref_slice %arg4[%run_scoped3A, %add3A, %dma_start3A_85] : memref<2x32x16xf32, #tpu.memory_space<hbm>> -> memref<1x1x16xf32, #tpu.memory_space<hbm>>
      %dma_start3A_87 = tpu.memref_squeeze %dma_start3A_86 : memref<1x1x16xf32, #tpu.memory_space<hbm>> -> memref<16xf32, #tpu.memory_space<hbm>>
      tpu.enqueue_dma source(%arg9 : memref<16xf32, #tpu.memory_space<vmem>>) target(%dma_start3A_87 : memref<16xf32, #tpu.memory_space<hbm>>) target_semaphore(%run_scoped3A_81 : memref<!tpu.dma_semaphore, #tpu.memory_space<semaphore_mem>>)
      %dma_wait3A_88 = arith.constant 0 : i32
      %dma_wait3A_89 = tpu.memref_slice %arg4[%run_scoped3A, %add3A, %dma_wait3A_88] : memref<2x32x16xf32, #tpu.memory_space<hbm>> -> memref<1x1x16xf32, #tpu.memory_space<hbm>>
      %dma_wait3A_90 = tpu.memref_squeeze %dma_wait3A_89 : memref<1x1x16xf32, #tpu.memory_space<hbm>> -> memref<16xf32, #tpu.memory_space<hbm>>
      %dma_wait3A_91 = arith.constant 0 : i32
      %dma_wait3A_92 = tpu.memref_slice %arg4[%run_scoped3A, %add3A, %dma_wait3A_91] : memref<2x32x16xf32, #tpu.memory_space<hbm>> -> memref<1x1x16xf32, #tpu.memory_space<hbm>>
      %dma_wait3A_93 = tpu.memref_squeeze %dma_wait3A_92 : memref<1x1x16xf32, #tpu.memory_space<hbm>> -> memref<16xf32, #tpu.memory_space<hbm>>
      tpu.wait_dma2 semaphore(%run_scoped3A_81 : memref<!tpu.dma_semaphore, #tpu.memory_space<semaphore_mem>>) src(%arg9 : memref<16xf32, #tpu.memory_space<vmem>>) dst(%dma_wait3A_93 : memref<16xf32, #tpu.memory_space<hbm>>)
      tpu.yield
    }) : () -> ()
    %run_scoped3A_80 = arith.constant 1 : i32
    "tpu.region"() ({
      %run_scoped3A_81 = tpu.sem_alloc : memref<!tpu.dma_semaphore, #tpu.memory_space<semaphore_mem>>
      %dma_start3A_82 = arith.constant 0 : i32
      %dma_start3A_83 = tpu.memref_slice %arg4[%run_scoped3A_80, %add3A, %dma_start3A_82] : memref<2x32x16xf32, #tpu.memory_space<hbm>> -> memref<1x1x16xf32, #tpu.memory_space<hbm>>
      %dma_start3A_84 = tpu.memref_squeeze %dma_start3A_83 : memref<1x1x16xf32, #tpu.memory_space<hbm>> -> memref<16xf32, #tpu.memory_space<hbm>>
      %dma_start3A_85 = arith.constant 0 : i32
      %dma_start3A_86 = tpu.memref_slice %arg4[%run_scoped3A_80, %add3A, %dma_start3A_85] : memref<2x32x16xf32, #tpu.memory_space<hbm>> -> memref<1x1x16xf32, #tpu.memory_space<hbm>>
      %dma_start3A_87 = tpu.memref_squeeze %dma_start3A_86 : memref<1x1x16xf32, #tpu.memory_space<hbm>> -> memref<16xf32, #tpu.memory_space<hbm>>
      tpu.enqueue_dma source(%arg10 : memref<16xf32, #tpu.memory_space<vmem>>) target(%dma_start3A_87 : memref<16xf32, #tpu.memory_space<hbm>>) target_semaphore(%run_scoped3A_81 : memref<!tpu.dma_semaphore, #tpu.memory_space<semaphore_mem>>)
      %dma_wait3A_88 = arith.constant 0 : i32
      %dma_wait3A_89 = tpu.memref_slice %arg4[%run_scoped3A_80, %add3A, %dma_wait3A_88] : memref<2x32x16xf32, #tpu.memory_space<hbm>> -> memref<1x1x16xf32, #tpu.memory_space<hbm>>
      %dma_wait3A_90 = tpu.memref_squeeze %dma_wait3A_89 : memref<1x1x16xf32, #tpu.memory_space<hbm>> -> memref<16xf32, #tpu.memory_space<hbm>>
      %dma_wait3A_91 = arith.constant 0 : i32
      %dma_wait3A_92 = tpu.memref_slice %arg4[%run_scoped3A_80, %add3A, %dma_wait3A_91] : memref<2x32x16xf32, #tpu.memory_space<hbm>> -> memref<1x1x16xf32, #tpu.memory_space<hbm>>
      %dma_wait3A_93 = tpu.memref_squeeze %dma_wait3A_92 : memref<1x1x16xf32, #tpu.memory_space<hbm>> -> memref<16xf32, #tpu.memory_space<hbm>>
      tpu.wait_dma2 semaphore(%run_scoped3A_81 : memref<!tpu.dma_semaphore, #tpu.memory_space<semaphore_mem>>) src(%arg10 : memref<16xf32, #tpu.memory_space<vmem>>) dst(%dma_wait3A_93 : memref<16xf32, #tpu.memory_space<hbm>>)
      tpu.yield
    }) : () -> ()
    return
  }
}

module attributes {stable_mosaic.version = 14 : i64} {
  func.func @_tc_body(%arg0: i32, %arg1: memref<1024x512xf32, #tpu.memory_space<vmem>>, %arg2: memref<1024x512xf32, #tpu.memory_space<vmem>>, %arg3: memref<1x1xf32, #tpu.memory_space<vmem>>, %arg4: memref<1x1xf32, #tpu.memory_space<vmem>>) attributes {dimension_semantics = [#tpu.dimension_semantics<arbitrary>], iteration_bounds = array<i64: 5>, scalar_prefetch = 0 : i64, scratch_operands = 0 : i64, tpu.core_type = #tpu.core_type<tc>, window_params = [{transform_indices = @transform_0, window_bounds = array<i64: 1024, 512>}, {transform_indices = @transform_1, window_bounds = array<i64: 1024, 512>}, {pipeline_mode = #tpu.pipeline_mode<synchronous>, transform_indices = @transform_2, window_bounds = array<i64: 1, 1>}, {pipeline_mode = #tpu.pipeline_mode<synchronous>, transform_indices = @transform_3, window_bounds = array<i64: 1, 1>}]} {
    %get3A = arith.constant 0 : index
    %get3A_0 = arith.constant 0 : index
    %get3A_1 = vector.load %arg1[%get3A, %get3A_0] : memref<1024x512xf32, #tpu.memory_space<vmem>>, vector<1024x512xf32>
    %get3A_2 = arith.constant 0 : index
    %get3A_3 = arith.constant 0 : index
    %get3A_4 = vector.load %arg2[%get3A_2, %get3A_3] : memref<1024x512xf32, #tpu.memory_space<vmem>>, vector<1024x512xf32>
    %mul3A = arith.constant 2.000000e+00 : f32
    %mul3A_5 = vector.broadcast %mul3A : f32 to vector<1024x512xf32>
    %mul3A_6 = arith.mulf %mul3A_5, %get3A_4 : vector<1024x512xf32>
    %sub3A = arith.constant 1.000000e+00 : f32
    %sub3A_7 = vector.broadcast %sub3A : f32 to vector<1024x512xf32>
    %sub3A_8 = arith.subf %sub3A_7, %mul3A_6 : vector<1024x512xf32>
    %mul3A_9 = arith.mulf %get3A_1, %sub3A_8 : vector<1024x512xf32>
    %ge3A = arith.constant -0.847297847 : f32
    %ge3A_10 = vector.broadcast %ge3A : f32 to vector<1024x512xf32>
    %ge3A_11 = arith.cmpf oge, %mul3A_9, %ge3A_10 : vector<1024x512xf32>
    %convert_element_type3A = arith.extui %ge3A_11 : vector<1024x512xi1> to vector<1024x512xi32>
    %convert_element_type3A_12 = arith.sitofp %convert_element_type3A : vector<1024x512xi32> to vector<1024x512xf32>
    %abs3A = math.absf %mul3A_9 : vector<1024x512xf32>
    %neg3A = arith.constant 0.000000e+00 : f32
    %neg3A_13 = vector.broadcast %neg3A : f32 to vector<1024x512xf32>
    %neg3A_14 = arith.subf %neg3A_13, %abs3A : vector<1024x512xf32>
    %exp3A = math.exp %neg3A_14 : vector<1024x512xf32>
    %mul3A_15 = arith.constant -0.0747361481 : f32
    %mul3A_16 = vector.broadcast %mul3A_15 : f32 to vector<1024x512xf32>
    %mul3A_17 = arith.mulf %exp3A, %mul3A_16 : vector<1024x512xf32>
    %add3A = arith.constant 0.254622221 : f32
    %add3A_18 = vector.broadcast %add3A : f32 to vector<1024x512xf32>
    %add3A_19 = arith.addf %add3A_18, %mul3A_17 : vector<1024x512xf32>
    %mul3A_20 = arith.mulf %exp3A, %add3A_19 : vector<1024x512xf32>
    %add3A_21 = arith.constant -0.486643076 : f32
    %add3A_22 = vector.broadcast %add3A_21 : f32 to vector<1024x512xf32>
    %add3A_23 = arith.addf %add3A_22, %mul3A_20 : vector<1024x512xf32>
    %mul3A_24 = arith.mulf %exp3A, %add3A_23 : vector<1024x512xf32>
    %add3A_25 = arith.constant 0.999620378 : f32
    %add3A_26 = vector.broadcast %add3A_25 : f32 to vector<1024x512xf32>
    %add3A_27 = arith.addf %add3A_26, %mul3A_24 : vector<1024x512xf32>
    %mul3A_28 = arith.mulf %exp3A, %add3A_27 : vector<1024x512xf32>
    %max3A = arith.constant 0.000000e+00 : f32
    %max3A_29 = vector.broadcast %max3A : f32 to vector<1024x512xf32>
    %max3A_30 = arith.maximumf %mul3A_9, %max3A_29 : vector<1024x512xf32>
    %add3A_31 = arith.addf %max3A_30, %mul3A_28 : vector<1024x512xf32>
    %eq3A = arith.constant 0 : i32
    %eq3A_32 = arith.cmpi eq, %arg0, %eq3A : i32
    %convert_element_type3A_33 = arith.extui %eq3A_32 : i1 to i32
    %cond3A = arith.constant 0 : i32
    %cond3A_34 = arith.cmpi ne, %convert_element_type3A_33, %cond3A : i32
    scf.if %cond3A_34 {
      %broadcast_in_dim3A = arith.constant 0.000000e+00 : f32
      %broadcast_in_dim3A_59 = vector.broadcast %broadcast_in_dim3A : f32 to vector<1x1xf32>
      %swap3A_60 = arith.constant 0 : index
      %swap3A_61 = arith.constant 0 : index
      %swap3A_62 = vector.load %arg3[%swap3A_60, %swap3A_61] : memref<1x1xf32, #tpu.memory_space<vmem>>, vector<1x1xf32>
      tpu.vector_store %arg3[%swap3A_60, %swap3A_61], %broadcast_in_dim3A_59 {strides = array<i32>} : memref<1x1xf32, #tpu.memory_space<vmem>>, vector<1x1xf32>,
      %broadcast_in_dim3A_63 = arith.constant 0.000000e+00 : f32
      %broadcast_in_dim3A_64 = vector.broadcast %broadcast_in_dim3A_63 : f32 to vector<1x1xf32>
      %swap3A_65 = arith.constant 0 : index
      %swap3A_66 = arith.constant 0 : index
      %swap3A_67 = vector.load %arg4[%swap3A_65, %swap3A_66] : memref<1x1xf32, #tpu.memory_space<vmem>>, vector<1x1xf32>
      tpu.vector_store %arg4[%swap3A_65, %swap3A_66], %broadcast_in_dim3A_64 {strides = array<i32>} : memref<1x1xf32, #tpu.memory_space<vmem>>, vector<1x1xf32>,
    } else {
    }
    %get3A_35 = arith.constant 0 : index
    %get3A_36 = arith.constant 0 : index
    %get3A_37 = vector.load %arg3[%get3A_35, %get3A_36] : memref<1x1xf32, #tpu.memory_space<vmem>>, vector<1x1xf32>
    %mul3A_38 = arith.mulf %add3A_31, %convert_element_type3A_12 : vector<1024x512xf32>
    %reduce_sum3A = vector.shape_cast %mul3A_38 : vector<1024x512xf32> to vector<1x1024x512xf32>
    %reduce_sum3A_39 = arith.constant dense<0.000000e+00> : vector<1xf32>
    %reduce_sum3A_40 = vector.multi_reduction <add>, %reduce_sum3A, %reduce_sum3A_39 [1, 2] : vector<1x1024x512xf32> to vector<1xf32>
    %reduce_sum3A_41 = vector.shape_cast %reduce_sum3A_40 : vector<1xf32> to vector<1x1x1xf32>
    %reduce_sum3A_42 = vector.extract %reduce_sum3A_41[0, 0, 0] : f32 from vector<1x1x1xf32>
    %reshape3A = vector.broadcast %reduce_sum3A_42 : f32 to vector<1x1xf32>
    %add3A_43 = arith.addf %get3A_37, %reshape3A : vector<1x1xf32>
    %swap3A = arith.constant 0 : index
    %swap3A_44 = arith.constant 0 : index
    %swap3A_45 = vector.load %arg3[%swap3A, %swap3A_44] : memref<1x1xf32, #tpu.memory_space<vmem>>, vector<1x1xf32>
    tpu.vector_store %arg3[%swap3A, %swap3A_44], %add3A_43 {strides = array<i32>} : memref<1x1xf32, #tpu.memory_space<vmem>>, vector<1x1xf32>,
    %get3A_46 = arith.constant 0 : index
    %get3A_47 = arith.constant 0 : index
    %get3A_48 = vector.load %arg4[%get3A_46, %get3A_47] : memref<1x1xf32, #tpu.memory_space<vmem>>, vector<1x1xf32>
    %reduce_sum3A_49 = vector.shape_cast %convert_element_type3A_12 : vector<1024x512xf32> to vector<1x1024x512xf32>
    %reduce_sum3A_50 = arith.constant dense<0.000000e+00> : vector<1xf32>
    %reduce_sum3A_51 = vector.multi_reduction <add>, %reduce_sum3A_49, %reduce_sum3A_50 [1, 2] : vector<1x1024x512xf32> to vector<1xf32>
    %reduce_sum3A_52 = vector.shape_cast %reduce_sum3A_51 : vector<1xf32> to vector<1x1x1xf32>
    %reduce_sum3A_53 = vector.extract %reduce_sum3A_52[0, 0, 0] : f32 from vector<1x1x1xf32>
    %reshape3A_54 = vector.broadcast %reduce_sum3A_53 : f32 to vector<1x1xf32>
    %add3A_55 = arith.addf %get3A_48, %reshape3A_54 : vector<1x1xf32>
    %swap3A_56 = arith.constant 0 : index
    %swap3A_57 = arith.constant 0 : index
    %swap3A_58 = vector.load %arg4[%swap3A_56, %swap3A_57] : memref<1x1xf32, #tpu.memory_space<vmem>>, vector<1x1xf32>
    tpu.vector_store %arg4[%swap3A_56, %swap3A_57], %add3A_55 {strides = array<i32>} : memref<1x1xf32, #tpu.memory_space<vmem>>, vector<1x1xf32>,
    return
  }
  func.func @transform_0(%arg0: i32) -> (i32, i32) {
    %add3A = arith.constant 3 : i32
    %add3A_0 = arith.addi %arg0, %add3A : i32
    %c0_i32 = arith.constant 0 : i32
    %c0_i32_1 = arith.constant 0 : i32
    return %add3A_0, %c0_i32 : i32, i32
  }
  func.func @transform_1(%arg0: i32) -> (i32, i32) {
    %add3A = arith.constant 3 : i32
    %add3A_0 = arith.addi %arg0, %add3A : i32
    %c0_i32 = arith.constant 0 : i32
    %c0_i32_1 = arith.constant 0 : i32
    return %add3A_0, %c0_i32 : i32, i32
  }
  func.func @transform_2(%arg0: i32) -> (i32, i32) {
    %c0_i32 = arith.constant 0 : i32
    %c0_i32_0 = arith.constant 0 : i32
    %c0_i32_1 = arith.constant 0 : i32
    return %c0_i32, %c0_i32_0 : i32, i32
  }
  func.func @transform_3(%arg0: i32) -> (i32, i32) {
    %c0_i32 = arith.constant 0 : i32
    %c0_i32_0 = arith.constant 0 : i32
    %c0_i32_1 = arith.constant 0 : i32
    return %c0_i32, %c0_i32_0 : i32, i32
  }
}

</mosaic_0001>

<sc_bundles>
// kernel: kernel.4.cloned.1.call-start
scs
__scs_entry_jumppad:
0x0: {  	(pc) =	sbr.rel $0x88, $3  }
0x1: {  	(tag) =	ssettag $0x0;
	lr =	simm.s32 $0x1  }
0x2: {  	[smem:$0x3F9F] =	sst lr;
	_ =	strace $0xD0000000  }
0x3: {  	_ = 	snop  }
0x4: {  	_ = 	snop  }
0x5: {  	_ = 	snop  }
0x6: {  	_ = 	snop  }
0x7: {  	_ = 	snop  }
__scs_overlays_trampoline_lowered:
0x8: {  	[smem:$0x3FAE] =	sst s0  }
0x9: {  	[smem:$0x3FAF] =	sst s1  }
0xa: {  	[smem:$0x3FB0] =	sst s2  }
0xb: {  	[smem:$0x3FB1] =	sst s3  }
0xc: {  	[smem:$0x3FB2] =	sst s4  }
0xd: {  	[smem:$0x3FB3] =	sst s5  }
0xe: {  	[smem:$0x3FB4] =	sst s6  }
0xf: {  	[smem:$0x3FB5] =	sst s7  }
0x10: {  	[smem:$0x3FB6] =	sst s8  }
0x11: {  	[smem:$0x3FB7] =	sst s9;
	s0 =	simm.s32 @!p0 $0x0  }
0x12: {  	s1 =	sld [smem:$0x3F9D];
	s0 =	simm.s32 @p0 $0x1  }
0x13: {  	[smem:$0x3FB8] =	sst s0;
	s0 =	simm.s32 @!p1 $0x0  }
0x14: {  	s2 =	sld [smem:$0x3F9C];
	s0 =	simm.s32 @p1 $0x1  }
0x15: {  	[smem:$0x3FB9] =	sst s0;
	s0 =	simm.s32 @!p2 $0x0  }
0x16: {  	s3 =	sld [smem:$0x3FDB];
	s0 =	simm.s32 @p2 $0x1  }
0x17: {  	s4 =	simm.s32 $0x1BF5;
	[smem:$0x3FBB] =	sst s0  }
0x18: {  	s0 =	sld [smem:$0x3F9E];
	_ =	swait.ge [sflag:s4], $0x0  }
0x19: {  	s7 =	sld [smem:$0x3F9F]  }
0x1a: {  	s8 =	sadd.s32 $0xFFFFE003, lr  }
0x1b: {  	s9 =	sadd.s32 $0xFFFFFEF7, lr;
	s5 =	simm.s32 $0xFFFFFFFF;
	p2 =	slt.u32 s8, $0xFFFFF086  }
0x1c: {  	p1 =	slt.u32 s9, $0xF7A;
	s5 =	simm.s32 @!p2 $0x0  }
0x1d: {  	s5 =	simm.s32 @p1 $0x1;
	p0 =	seq.s32 s7, s2  }
0x1e: {  	s7 =	smul.u32 @!p0 $0xF7A, s2;
	p2 =	seq.s32 @!p0 s5, $0x0  }
0x1f: {  	s9 =	smul.u32 $0xF7A, s1;
	s8 =	simm.s32 @!p0 $0x1BF5;
	p2 =	por !p2, p0  }
0x20: {  	[sflag:s8] =	ssyncset.s32 @!p0 $0xFFFFF086;
	s6 =	sadd.s32 @!p0 s3, s7;
	s7 =	simm.s32 @!p0 $0x108  }
0x21: {  	s3 =	sadd.s32 s3, s9;
	s6 =	sadd.s32 @!p0 $0x88, s6;
	s7 =	simm.s32 @p2 $0x1082  }
0x22: {  	[simem:s7], [sflag:s8] =	dma.local @!p0 [hbm:s6], $0xF7A  }
0x23: {  	s9 =	sor.u32 $0xD0000000, s2;
	s6 =	simm.s32 $0x108;
	_ =	swait.ge @!p0 [sflag:s8], $0x0  }
0x24: {  	s3 =	sadd.s32 $0x88, s3;
	s6 =	simm.s32 @!p1 $0x1082;
	[sflag:s4] =	ssyncset.s32 $0xFFFFF086  }
0x25: {  	[simem:s6], [sflag:s4] =	dma.local [hbm:s3], $0xF7A  }
0x26: {  	[smem:$0x3F9F] =	sst s1;
	(tag) =	ssettag s2;
	_ =	strace s9  }
0x27: {  	s1 =	sld [smem:$0x3FAF]  }
0x28: {  	s2 =	sld [smem:$0x3FB0]  }
0x29: {  	s4 =	sld [smem:$0x3FB2]  }
0x2a: {  	p0 =	seq.s32 s5, $0x0;
	s5 =	sld [smem:$0x3FB3]  }
0x2b: {  	s6 =	sld [smem:$0x3FB4]  }
0x2c: {  	s7 =	sld [smem:$0x3FB5]  }
0x2d: {  	s3 =	simm.s32 $0x108;
	s8 =	sld [smem:$0x3FB6]  }
0x2e: {  	s3 =	simm.s32 @!p0 $0x1082;
	s9 =	sld [smem:$0x3FB7]  }
0x2f: {  	lr =	sadd.s32 s0, s3;
	s0 =	sld [smem:$0x3FAE]  }
0x30: {  	s3 =	sld [smem:$0x3FB1]  }
0x31: {  	[smem:$0x3FBA] =	sst s10  }
0x32: {  	s10 =	sld [smem:$0x3FB8];
	_ =	sdelay $0x3  }
0x33: {  	p0 =	seq.s32 s10, $0x1;
	s10 =	sld [smem:$0x3FBA];
	_ =	sdelay $0x3  }
0x34: {  	[smem:$0x3FBA] =	sst s10  }
0x35: {  	s10 =	sld [smem:$0x3FB9];
	_ =	sdelay $0x3  }
0x36: {  	p1 =	seq.s32 s10, $0x1;
	s10 =	sld [smem:$0x3FBA];
	_ =	sdelay $0x3  }
0x37: {  	[smem:$0x3FBA] =	sst s10  }
0x38: {  	s10 =	sld [smem:$0x3FBB]  }
0x39: {  	_ = 	snop;
	(pc) =	sbr.ind lr, $3  }
0x3a: {  	_ = 	snop  }
0x3b: {  	_ = 	snop  }
0x3c: {  	p2 =	seq.s32 s10, $0x1;
	s10 =	sld [smem:$0x3FBA]  }
0x3d: {  	_ =	shalt  }
0x3e: {  	_ =	shalt  }
0x3f: {  	_ =	shalt  }
0x40: {  	_ =	shalt  }
0x41: {  	_ =	shalt  }
0x42: {  	_ =	shalt  }
0x43: {  	_ =	shalt  }
0x44: {  	_ =	shalt  }
0x45: {  	_ =	shalt  }
0x46: {  	_ =	shalt  }
0x47: {  	_ =	shalt  }
0x48: {  	_ =	shalt  }
0x49: {  	_ =	shalt  }
0x4a: {  	_ =	shalt  }
0x4b: {  	_ =	shalt  }
0x4c: {  	_ =	shalt  }
0x4d: {  	_ =	shalt  }
0x4e: {  	_ =	shalt  }
0x4f: {  	_ =	shalt  }
0x50: {  	_ =	shalt  }
0x51: {  	_ =	shalt  }
0x52: {  	_ =	shalt  }
0x53: {  	_ =	shalt  }
0x54: {  	_ =	shalt  }
0x55: {  	_ =	shalt  }
0x56: {  	_ =	shalt  }
0x57: {  	_ =	shalt  }
0x58: {  	_ =	shalt  }
0x59: {  	_ =	shalt  }
0x5a: {  	_ =	shalt  }
0x5b: {  	_ =	shalt  }
0x5c: {  	_ =	shalt  }
0x5d: {  	_ =	shalt  }
0x5e: {  	_ =	shalt  }
0x5f: {  	_ =	shalt  }
0x60: {  	_ =	shalt  }
0x61: {  	_ =	shalt  }
0x62: {  	_ =	shalt  }
0x63: {  	_ =	shalt  }
0x64: {  	_ =	shalt  }
0x65: {  	_ =	shalt  }
0x66: {  	_ =	shalt  }
0x67: {  	_ =	shalt  }
0x68: {  	_ =	shalt  }
0x69: {  	_ =	shalt  }
0x6a: {  	_ =	shalt  }
0x6b: {  	_ =	shalt  }
0x6c: {  	_ =	shalt  }
0x6d: {  	_ =	shalt  }
0x6e: {  	_ =	shalt  }
0x6f: {  	_ =	shalt  }
0x70: {  	_ =	shalt  }
0x71: {  	_ =	shalt  }
0x72: {  	_ =	shalt  }
0x73: {  	_ =	shalt  }
0x74: {  	_ =	shalt  }
0x75: {  	_ =	shalt  }
0x76: {  	_ =	shalt  }
0x77: {  	_ =	shalt  }
0x78: {  	_ =	shalt  }
0x79: {  	_ =	shalt  }
0x7a: {  	_ =	shalt  }
0x7b: {  	_ =	shalt  }
0x7c: {  	_ =	shalt  }
0x7d: {  	_ =	shalt  }
0x7e: {  	_ =	shalt  }
0x7f: {  	_ =	shalt  }
0x80: {  	_ =	shalt  }
0x81: {  	_ =	shalt  }
0x82: {  	_ =	shalt  }
0x83: {  	_ =	shalt  }
0x84: {  	_ =	shalt  }
0x85: {  	_ =	shalt  }
0x86: {  	_ =	shalt  }
0x87: {  	_ =	shalt  }
.Lfunc_end0:
.L_simem_size_0:
called_computation_lowered:
.L_overlay_start_0:
0x88: {  	s2 =	sld [smem:$0x3FD9]  }
0x89: {  	s3 =	sld [smem:$0x3FFE];
	_ =	sdelay $0x1  }
0x8a: {  	s1 =	srdreg.scid  }
0x8b: {  	s0 =	sand.u32 $0x1, s1  }
0x8c: {  	s17 =	sshll.u32 s0, $0xA;
	s2 =	sadd.s32 s3, s2  }
0x8d: {  	s2 =	sadd.s32 s2, s17  }
0x8e: {  	[smem:$0x3FC6] =	sst s2  }
0x8f: {  	_ = 	snop  }
0x90: {  	s2 =	sld [smem:$0x3FC9]  }
0x91: {  	s18 =	sld [smem:$0x3FC8];
	(tm) =	ssettm $0x1  }
0x92: {  	s4 =	sld [smem:$0x3FFB];
	_ =	sdelay $0x3  }
0x93: {  	_ =	strace s4  }
0x94: {  	s4 =	sld [smem:$0x3FFC];
	_ =	sdelay $0x3  }
0x95: {  	_ =	strace s4  }
0x96: {  	s4 =	sld [smem:$0x3FFD];
	_ =	sdelay $0x3  }
0x97: {  	_ =	strace s4  }
0x98: {  	_ =	strace $0x8FFFFFFF  }
0x99: {  	s19 =	sld [smem:$0x3FDB];
	_ =	sdelay $0x1  }
0x9a: {  	s5 =	simm.s32 $_scs_section_size  }
0x9b: {  	s6 =	simm.s32 $_size__tile_overlayer_lowered;
	s7 =	simm.s32 $_tile_overlayer_lowered  }
0x9c: {  	s22 =	simm.s32 $0x1BFF;
	s21 =	sshll.u32 s7, $0x1;
	s4 =	sadd.s32 s5, s19  }
0x9d: {  	s8 =	simm.s32 $0x0;
	s20 =	sshll.u32 s6, $0x1;
	s6 =	sadd.s32 s21, s4  }
0x9e: {  	[timem:s8], [sflag:s22] =	dma.local [hbm:s6], s20  }
0x9f: {  	_ =	swait.ge [sflag:s22], s20  }
0xa0: {  	s5 =	ssub.s32 $0x0, s20;
	[sflag:s22] =	ssyncset.done $0x0  }
0xa1: {  	[sflag:s22] =	ssyncadd.s32 s5;
	_ =	sdelay $0x1  }
0xa2: {  	s23 =	simm.s32 $0x1B8B  }
0xa3: {  	_ =	swait.ge [sflag:s23], $0x1  }
0xa4: {  	[sflag:s23] =	ssyncset.done $0x0  }
0xa5: {  	s25 =	simm.s32 $0x1B8E;
	s24 =	sld [smem:$0x3FFE];
	[sflag:s23] =	ssyncadd.s32 $0xFFFFFFFF  }
0xa6: {  	s26 =	simm.s32 $execute0_lowered;
	[smem:$0x3FD2] =	sst s25  }
0xa7: {  	s6 =	sshll.u32 s26, $0x1;
	_ =	strace $0x80000046;
	[dreg:$0x1] =	wrdreg $0xFFFFFFFF  }
0xa8: {  	s28 =	simm.s32 $_size_execute0_lowered;
	s4 =	sadd.s32 s4, s6;
	[dreg:$0x0] =	wrdreg $0x0  }
0xa9: {  	s6 =	sshll.u32 s28, $0x1;
	[dreg:$0x2] =	wrdreg s4  }
0xaa: {  	[dreg:$0x3] =	wrdreg s6  }
0xab: {  	[dreg:$0x4] =	wrdreg $0xC0  }
0xac: {  	_ =	task [dreg:s8], $0x5FFFF  }
0xad: {  	[dreg:$0x1] =	wrdreg $0xFFFFFFFF  }
0xae: {  	[dreg:$0x0] =	wrdreg $0x60  }
0xaf: {  	[dreg:$0x2] =	wrdreg s2  }
0xb0: {  	[dreg:$0x3] =	wrdreg s18  }
0xb1: {  	[dreg:$0x4] =	wrdreg s24  }
0xb2: {  	[dreg:$0x5] =	wrdreg $0x9  }
0xb3: {  	_ =	task.clear_ibuf [dreg:s8], $0x6FFFF;
	_ =	strace $0x90000046  }
0xb4: {  	s29 =	simm.s32 $0x9;
	_ =	strace $0x80000048  }
0xb5: {  	_ =	swait.ge [sflag:s29], $0x1  }
0xb6: {  	[sflag:s29] =	ssyncadd.s32 $0xFFFFFFFF  }
0xb7: {  	_ =	strace $0x90000048  }
0xb8: {  	_ =	sfence  }
0xb9: {  	s30 =	sld [smem:$0x0];
	_ =	sdelay $0x2  }
0xba: {  	s31 =	sshll.u32 s1, $0xD;
	s1 =	sshrl.u32 s1, $0x2  }
0xbb: {  	s3 =	sand.u32 $0x4000, s31;
	s1 =	sadd.s32 s1, s30  }
0xbc: {  	s0 =	sor.u32 s3, s0;
	s1 =	sshll.u32 s1, $0x11  }
0xbd: {  	s0 =	sor.u32 s1, s0  }
0xbe: {  	s0 =	sadd.s32 $0x8F2B, s0  }
0xbf: {  	[sflag:s0] =	ssyncadd.remote.s32 $0x1  }
0xc0: {  	_ =	sfence.sel $0xFFFF  }
0xc1: {  	[dreg:$0x0] =	wrdreg $0xFFFFFFFF;
	(pc) =	sbr.abs _section_cstart, $3  }
0xc2: {  	[dreg:$0x1] =	wrdreg $0xFFFFFFFF  }
0xc3: {  	_ =	task.clear_ibuf [dreg:s8], $0x2FFFF;
	_ =	strace $0x9FFFFFFF  }
0xc4: {  	(tm) =	ssettm $0x7FFFFFFF  }
0xc5: {  	_ =	shalt  }
tec
execute0_lowered:
.L_overlay_start_1:
0x0: {  	(tag) =	ssettag $0x1  }
0x1: {  	s8 =	rddreg [dreg:$0x0]  }
0x2: {  	s1 =	srdreg.scid;
	s9 =	rddreg [dreg:$0x1]  }
0x3: {  	s0 =	stileid.u32;
	s7 =	rddreg [dreg:$0x2]  }
0x4: {  	s2 =	simm.s32 $0x0;
	s14 =	simm.s32 $0xC000;
	s15 =	simm.s32 $0x1  }
0x5: {  	s16 =	simm.s32 $0x2;
	s17 =	simm.s32 $0x3;
	s18 =	simm.s32 $0x4  }
0x6: {  	s19 =	simm.s32 $0x10000;
	s20 =	simm.s32 $0x5;
	s21 =	simm.s32 $0x10080  }
0x7: {  	s3 =	sand.u32 $0x1, s1;
	s29 =	sshll.u32 s0, $0x1;
	s1 =	rddreg [dreg:$0x3]  }
0x8: {  	s22 =	simm.s32 $0x0;
	[smem:$0x7FF] =	sst s2;
	s6 =	sor.u32 s3, s29  }
0x9: {  	s3 =	ssub.s32 $0x2, s3;
	_ =	strace $0x80000047;
	s4 =	smul.u32 $0xC000, s6  }
0xa: {  	s5 =	smul.u32 $0x1800, s6;
	s10 =	sshrl.u32 s3, $0x1;
	s13 =	sshll.u32 s6, $0x4  }
0xb: {  	s12 =	ssub.s32 s3, s10;
	s7 =	sadd.s32 s7, s13;
	s13 =	simm.s32 $0x8000  }
0xc: {  	s11 =	sshrl.u32 s4, $0x3;
	s3 =	sadd.s32 s8, s5;
	s4 =	sadd.s32 s9, s5  }
0xd: {  	s10 =	sadd.s32 $0x200, s7;
	s30 =	sadd.s32 $0x800, s11;
	s31 =	sadd.s32 $0x1000, s11  }
0xe: {  	s11 =	smax.u32 s12, $0x1;
	s12 =	simm.s32 $0x4000;
	s5 =	sadd.s32 s8, s30  }
0xf: {  	v0 =	vimm.f32 $0.0e+00;
	s6 =	sadd.s32 s9, s30;
	s8 =	sadd.s32 s8, s31;
	s9 =	sadd.s32 s9, s31  }
.LBB2_1:
0x10: {  	[tilespmem:s2], [sflag:$0x1] =	stream.linear.gather [hbm4b:s3+s2], $0x4000, $0x38;
	[tilespmem:$0x10100] =	vst v63  }
0x11: {  	_ = 	snop  }
0x12: {  	[tilespmem:s12], [sflag:$0x2] =	stream.linear.gather [hbm4b:s4+s2], $0x4000, $0x38;
	[tilespmem:$0x10100] =	vst v63  }
0x13: {  	_ = 	snop  }
0x14: {  	[tilespmem:s13], [sflag:$0x3] =	stream.linear.gather [hbm4b:s5+s2], $0x4000, $0x38;
	[tilespmem:$0x10100] =	vst v63  }
0x15: {  	_ = 	snop  }
0x16: {  	[tilespmem:s14], [sflag:$0x4] =	stream.linear.gather [hbm4b:s6+s2], $0x4000, $0x38;
	[tilespmem:$0x10100] =	vst v63  }
0x17: {  	_ =	swait.ge [sflag:s15], $0x4000  }
0x18: {  	s23 =	simm.s32 $0x0;
	s24 =	sand.u32 $0x70, s2;
	[sflag:s15] =	ssyncset.done $0x0  }
0x19: {  	s25 =	sand.u32 $0xC00, s2;
	s26 =	simm.s32 $0x0;
	[sflag:s15] =	ssyncadd.s32 $0xFFFFC000  }
0x1a: {  	s23 =	sand.u32 $0x3000, s23;
	s24 =	sor.u32 s25, s24;
	_ =	swait.ge [sflag:s16], $0x4000  }
0x1b: {  	s26 =	sand.u32 $0x380, s26;
	s23 =	sor.u32 s23, s24;
	[sflag:s16] =	ssyncset.done $0x0  }
0x1c: {  	s23 =	sor.u32 s26, s23;
	[sflag:s16] =	ssyncadd.s32 $0xFFFFC000  }
0x1d: {  	v1 =	vld [tilespmem:s23+$0x4000]  }
0x1e: {  	v2 =	vld [tilespmem:s23+$0x0]  }
0x1f: {  	s31 =	simm.s32 $0x80;
	s25 =	simm.s32 $0x10  }
0x20: {  	s24 =	sand.u32 $0x70, s25;
	s26 =	simm.s32 $0x10;
	s23 =	sand.u32 $0xC00, s31  }
0x21: {  	s25 =	sand.u32 $0x3000, s26;
	s31 =	simm.s32 $0x4;
	s23 =	sor.u32 s23, s24  }
0x22: {  	s26 =	sand.u32 $0x380, s31;
	s23 =	sor.u32 s25, s23;
	v1 =	vshll.u32 v1, $0x8  }
0x23: {  	s23 =	sor.u32 s26, s23;
	v7 =	vxor.u32 v2, v1  }
0x24: {  	v1 =	vld [tilespmem:s23+$0x4000];
	v2 =	vand.u32 $0x7FFFFFFF, v7  }
0x25: {  	v3 =	vld [tilespmem:s23+$0x0];
	v2 =	vsub.f32 $0.0e+00, v2  }
0x26: {  	s31 =	simm.s32 $0x100;
	s25 =	simm.s32 $0x20  }
0x27: {  	s26 =	simm.s32 $0x20;
	s24 =	sand.u32 $0x70, s25;
	s23 =	sand.u32 $0xC00, s31;
	v2 =	vmul.f32 $1.442695020e+00, v2  }
0x28: {  	s25 =	sand.u32 $0x3000, s26;
	s31 =	simm.s32 $0x8;
	s23 =	sor.u32 s23, s24  }
0x29: {  	s26 =	sand.u32 $0x380, s31;
	s23 =	sor.u32 s25, s23;
	v1 =	vshll.u32 v1, $0x8;
	(erf) = vpow2.f32 v2  }
0x2a: {  	s23 =	sor.u32 s26, s23;
	v3 =	vxor.u32 v3, v1  }
0x2b: {  	v1 =	vld [tilespmem:s23+$0x4000];
	v2 =	vand.u32 $0x7FFFFFFF, v3  }
0x2c: {  	v4 =	vld [tilespmem:s23+$0x0];
	v2 =	vsub.f32 $0.0e+00, v2;
	_ =	sdelay $0x1  }
0x2d: {  	v2 =	vmul.f32 $1.442695020e+00, v2  }
0x2e: {  	s31 =	simm.s32 $0x180;
	s25 =	simm.s32 $0x30  }
0x2f: {  	s26 =	simm.s32 $0x30;
	s24 =	sand.u32 $0x70, s25;
	s23 =	sand.u32 $0xC00, s31;
	v1 =	vshll.u32 v1, $0x8;
	(erf) = vpow2.f32 v2  }
0x30: {  	s25 =	sand.u32 $0x3000, s26;
	s31 =	simm.s32 $0xC;
	s23 =	sor.u32 s23, s24;
	v1 =	vxor.u32 v4, v1  }
0x31: {  	s26 =	sand.u32 $0x380, s31;
	s23 =	sor.u32 s25, s23;
	v2 =	vand.u32 $0x7FFFFFFF, v1;
	v5 =	vpop (erf)  }
0x32: {  	s23 =	sor.u32 s26, s23;
	v2 =	vsub.f32 $0.0e+00, v2;
	v4 =	vmul.f32 $-7.473614810e-02, v5  }
0x33: {  	s24 =	simm.s32 $0x200;
	s31 =	simm.s32 $0x40;
	v8 =	vld [tilespmem:s23+$0x4000]  }
0x34: {  	s25 =	sand.u32 $0x70, s31;
	s24 =	sand.u32 $0xC00, s24;
	s26 =	simm.s32 $0x40;
	v9 =	vld [tilespmem:s23+$0x0];
	v2 =	vmul.f32 $1.442695020e+00, v2;
	v4 =	vadd.f32 $2.546222210e-01, v4  }
0x35: {  	s31 =	simm.s32 $0x10;
	s24 =	sor.u32 s24, s25;
	s26 =	sand.u32 $0x3000, s26  }
0x36: {  	s23 =	sand.u32 $0x380, s31;
	s24 =	sor.u32 s26, s24;
	(erf) = vpow2.f32 v2;
	v2 =	vmul.f32 v4, v5  }
0x37: {  	s23 =	sor.u32 s23, s24  }
0x38: {  	v10 =	vld [tilespmem:s23+$0x4000];
	v4 =	vshll.u32 v8, $0x8;
	v6 =	vpop (erf);
	v2 =	vadd.f32 $-4.866430760e-01, v2  }
0x39: {  	v4 =	vxor.u32 v9, v4;
	v11 =	vmul.f32 $-7.473614810e-02, v6  }
0x3a: {  	v8 =	vld [tilespmem:s23+$0x0];
	v9 =	vand.u32 $0x7FFFFFFF, v4;
	v2 =	vmul.f32 v2, v5  }
0x3b: {  	v9 =	vsub.f32 $0.0e+00, v9;
	v11 =	vadd.f32 $2.546222210e-01, v11  }
0x3c: {  	s25 =	simm.s32 $0x50;
	s31 =	simm.s32 $0x280;
	v12 =	vadd.f32 $9.996203780e-01, v2  }
0x3d: {  	s26 =	simm.s32 $0x50;
	s24 =	sand.u32 $0x70, s25;
	s23 =	sand.u32 $0xC00, s31;
	v2 =	vshll.u32 v10, $0x8;
	v10 =	vmul.f32 v11, v6;
	v11 =	vmul.f32 $1.442695020e+00, v9  }
0x3e: {  	s25 =	sand.u32 $0x3000, s26;
	s31 =	simm.s32 $0x14;
	s23 =	sor.u32 s23, s24  }
0x3f: {  	s31 =	sand.u32 $0x380, s31;
	s23 =	sor.u32 s25, s23;
	v2 =	vxor.u32 v8, v2;
	v9 =	vpop (erf);
	(erf) = vpow2.f32 v11  }
0x40: {  	s25 =	sor.u32 s31, s23;
	v8 =	vmul.f32 v12, v5;
	v5 =	vand.u32 $0x7FFFFFFF, v2;
	v10 =	vadd.f32 $-4.866430760e-01, v10  }
0x41: {  	v12 =	vmax.f32 v7, $0.0e+00;
	v14 =	vmul.f32 $-7.473614810e-02, v9;
	v13 =	vsub.f32 $0.0e+00, v5;
	v5 =	vld [tilespmem:s25+$0x4000]  }
0x42: {  	s28 =	simm.s32 $0x60;
	vm0 =	vge.f32 v7, $-8.472978470e-01;
	v7 =	vld [tilespmem:s25+$0x0];
	v8 =	vadd.f32 v8, v12  }
0x43: {  	s26 =	simm.s32 $0x18;
	s24 =	simm.s32 $0x60;
	s23 =	simm.s32 $0x300;
	v11 =	vimm.f32 $0.0e+00;
	v12 =	vmul.f32 v10, v6;
	v14 =	vadd.f32 $2.546222210e-01, v14  }
0x44: {  	s29 =	sand.u32 $0x70, s24;
	s30 =	sand.u32 $0xC00, s23;
	s25 =	simm.s32 $0x7;
	v10 =	vimm.f32 $0.0e+00;
	v15 =	vmul.f32 $1.442695020e+00, v13;
	v13 =	vnsel vm0, $0x0, v8  }
.LBB2_2:
0x45: {  	p0 =	sne.s32 s25, $0x3FF;
	s28 =	sand.u32 $0x3000, s28;
	s29 =	sor.u32 s30, s29;
	v8 =	vadd.f32 $9.996203780e-01, v12;
	v11 =	vadd.f32 v13, v11;
	v12 =	vsel vm0, $0x3F800000, v0  }
0x46: {  	s26 =	sand.u32 $0x380, s26;
	s28 =	sor.u32 s28, s29;
	v5 =	vshll.u32 v5, $0x8;
	(erf) = vpow2.f32 v15;
	v13 =	vmul.f32 v14, v9  }
.Ltmp0:
0x47: {  	v10 =	vadd.f32 v12, v10;
	s26 =	sor.u32 s26, s28;
	v16 =	vxor.u32 v7, v5;
	v8 =	vmul.f32 v8, v6;
	v6 =	vmovc v9;
	(pc) =	sbr.rel @p0 .LBB2_2-.Ltmp0, $4  }
0x48: {  	v14 =	vmax.f32 v3, $0.0e+00;
	v5 =	vld [tilespmem:s26+$0x4000];
	v12 =	vand.u32 $0x7FFFFFFF, v16;
	v9 =	vpop (erf);
	v13 =	vadd.f32 $-4.866430760e-01, v13  }
0x49: {  	s23 =	sadd.s32 $0x80, s23;
	v7 =	vld [tilespmem:s26+$0x0];
	v15 =	vsub.f32 $0.0e+00, v12;
	v17 =	vmul.f32 $-7.473614810e-02, v9;
	v8 =	vadd.f32 v8, v14  }
0x4a: {  	s24 =	sadd.s32 $0x10, s24;
	vm0 =	vge.f32 v3, $-8.472978470e-01;
	v3 =	vmovc v1;
	v1 =	vmovc v4;
	v4 =	vmov v2;
	s28 =	sshll.u32 s25, $0x4;
	s26 =	sshll.u32 s25, $0x2;
	v12 =	vmul.f32 v13, v6  }
0x4b: {  	s29 =	sand.u32 $0x70, s24;
	s30 =	sand.u32 $0xC00, s23;
	v2 =	vmovc v16;
	s25 =	sadd.s32 $0x1, s25;
	v15 =	vmul.f32 $1.442695020e+00, v15;
	v14 =	vadd.f32 $2.546222210e-01, v17;
	v13 =	vnsel vm0, $0x0, v8  }
0x4c: {  	s23 =	sand.u32 $0x3000, s28;
	s24 =	sor.u32 s30, s29  }
0x4d: {  	s25 =	sand.u32 $0x380, s26;
	s23 =	sor.u32 s23, s24  }
0x4e: {  	s23 =	sor.u32 s25, s23  }
0x4f: {  	v16 =	vld [tilespmem:s23+$0x4000]  }
0x50: {  	v17 =	vld [tilespmem:s23+$0x0];
	_ =	sdelay $0x2  }
0x51: {  	v5 =	vshll.u32 v5, $0x8  }
0x52: {  	v8 =	vxor.u32 v7, v5;
	v5 =	vshll.u32 v16, $0x8  }
0x53: {  	v7 =	vand.u32 $0x7FFFFFFF, v8;
	v5 =	vxor.u32 v17, v5  }
0x54: {  	v7 =	vsub.f32 $0.0e+00, v7;
	v16 =	vand.u32 $0x7FFFFFFF, v5  }
0x55: {  	v16 =	vsub.f32 $0.0e+00, v16  }
0x56: {  	v7 =	vmul.f32 $1.442695020e+00, v7  }
0x57: {  	(erf) = vpow2.f32 v15;
	v15 =	vmul.f32 $1.442695020e+00, v16  }
0x58: {  	(erf) = vpow2.f32 v7  }
0x59: {  	(erf) = vpow2.f32 v15;
	_ =	sdelay $0x5  }
0x5a: {  	s24 =	simm.s32 $0x0;
	v15 =	vpop (erf)  }
0x5b: {  	[tilespmem:s24], [sflag:$0x1] =	stream.linear.gather [hbm4b:s8+s24], $0x4000, $0x38;
	v16 =	vpop (erf);
	[tilespmem:$0x10100] =	vst v63  }
0x5c: {  	v14 =	vmul.f32 v14, v9;
	v17 =	vpop (erf)  }
0x5d: {  	[tilespmem:s12], [sflag:$0x2] =	stream.linear.gather [hbm4b:s9+s24], $0x4000, $0x38;
	v7 =	vpop (erf);
	[tilespmem:$0x10100] =	vst v63  }
0x5e: {  	v14 =	vadd.f32 $-4.866430760e-01, v14;
	v18 =	vmul.f32 $-7.473614810e-02, v15;
	_ =	swait.ge [sflag:s17], $0x4000  }
0x5f: {  	v12 =	vadd.f32 $9.996203780e-01, v12;
	s31 =	simm.s32 $0x0;
	s25 =	simm.s32 $0x0;
	[sflag:s17] =	ssyncset.done $0x0  }
0x60: {  	s26 =	sand.u32 $0x70, s24;
	s23 =	sand.u32 $0xC00, s24;
	v14 =	vmul.f32 v14, v9;
	v18 =	vadd.f32 $2.546222210e-01, v18;
	[sflag:s17] =	ssyncadd.s32 $0xFFFFC000  }
0x61: {  	v11 =	vadd.f32 v13, v11;
	v6 =	vmul.f32 v12, v6;
	s23 =	sor.u32 s23, s26;
	s24 =	sand.u32 $0x3000, s25;
	_ =	swait.ge [sflag:s18], $0x4000  }
0x62: {  	v12 =	vmax.f32 v3, $0.0e+00;
	s26 =	sand.u32 $0x380, s31;
	s23 =	sor.u32 s24, s23;
	v14 =	vadd.f32 $9.996203780e-01, v14;
	v18 =	vmul.f32 v18, v15;
	[sflag:s18] =	ssyncset.done $0x0  }
0x63: {  	v13 =	vsel vm0, $0x3F800000, v0;
	vm0 =	vge.f32 v3, $-8.472978470e-01;
	v6 =	vadd.f32 v6, v12;
	s23 =	sor.u32 s26, s23;
	[sflag:s18] =	ssyncadd.s32 $0xFFFFC000  }
0x64: {  	v10 =	vadd.f32 v13, v10;
	v3 =	vmul.f32 v14, v9;
	v9 =	vadd.f32 $-4.866430760e-01, v18;
	v12 =	vld [tilespmem:s23+$0xC000]  }
0x65: {  	s31 =	simm.s32 $0x80;
	s25 =	simm.s32 $0x10;
	v6 =	vnsel vm0, $0x0, v6;
	v14 =	vmax.f32 v1, $0.0e+00;
	v63 =	vmul.f32 $-7.473614810e-02, v16;
	v13 =	vld [tilespmem:s23+$0x8000]  }
0x66: {  	s24 =	sand.u32 $0x70, s25;
	v6 =	vadd.f32 v6, v11;
	s26 =	simm.s32 $0x10;
	v3 =	vadd.f32 v3, v14;
	v9 =	vmul.f32 v9, v15;
	s23 =	sand.u32 $0xC00, s31  }
0x67: {  	v11 =	vsel vm0, $0x3F800000, v0;
	vm0 =	vge.f32 v1, $-8.472978470e-01;
	s25 =	sand.u32 $0x3000, s26;
	v1 =	vadd.f32 $2.546222210e-01, v63;
	s31 =	simm.s32 $0x4;
	s23 =	sor.u32 s23, s24  }
0x68: {  	v10 =	vadd.f32 v11, v10;
	v3 =	vnsel vm0, $0x0, v3;
	v9 =	vadd.f32 $9.996203780e-01, v9;
	s26 =	sand.u32 $0x380, s31;
	s23 =	sor.u32 s25, s23  }
0x69: {  	v3 =	vadd.f32 v3, v6;
	v1 =	vmul.f32 v1, v16;
	s23 =	sor.u32 s26, s23;
	v12 =	vshll.u32 v12, $0x8  }
0x6a: {  	v14 =	vmul.f32 $-7.473614810e-02, v17;
	v9 =	vmul.f32 v9, v15;
	v11 =	vld [tilespmem:s23+$0xC000];
	v6 =	vxor.u32 v13, v12  }
0x6b: {  	v1 =	vadd.f32 $-4.866430760e-01, v1;
	v15 =	vld [tilespmem:s23+$0x8000];
	v13 =	vmax.f32 v4, $0.0e+00;
	v12 =	vand.u32 $0x7FFFFFFF, v6  }
0x6c: {  	vm1 =	vge.f32 v4, $-8.472978470e-01;
	s31 =	simm.s32 $0x100;
	s25 =	simm.s32 $0x20;
	v9 =	vadd.f32 v9, v13;
	v12 =	vsub.f32 $0.0e+00, v12  }
0x6d: {  	v1 =	vmul.f32 v1, v16;
	s26 =	simm.s32 $0x20;
	s24 =	sand.u32 $0x70, s25;
	s23 =	sand.u32 $0xC00, s31;
	v4 =	vsel vm0, $0x3F800000, v0;
	v13 =	vadd.f32 $2.546222210e-01, v14  }
0x6e: {  	s31 =	simm.s32 $0x8;
	s25 =	sand.u32 $0x3000, s26;
	s23 =	sor.u32 s23, s24;
	v4 =	vadd.f32 v4, v10;
	v9 =	vnsel vm1, $0x0, v9;
	v12 =	vmul.f32 $1.442695020e+00, v12  }
0x6f: {  	s26 =	sand.u32 $0x380, s31;
	s23 =	sor.u32 s25, s23;
	v10 =	vmul.f32 v13, v17;
	v11 =	vshll.u32 v11, $0x8;
	v13 =	vmul.f32 $-7.473614810e-02, v7  }
0x70: {  	s23 =	sor.u32 s26, s23;
	(erf) = vpow2.f32 v12;
	v12 =	vadd.f32 $9.996203780e-01, v1;
	v1 =	vxor.u32 v15, v11  }
0x71: {  	v3 =	vadd.f32 v9, v3;
	v9 =	vadd.f32 $-4.866430760e-01, v10;
	v10 =	vld [tilespmem:s23+$0xC000];
	v11 =	vand.u32 $0x7FFFFFFF, v1  }
0x72: {  	v14 =	vsel vm1, $0x3F800000, v0;
	v13 =	vadd.f32 $2.546222210e-01, v13;
	v15 =	vld [tilespmem:s23+$0x8000];
	v11 =	vsub.f32 $0.0e+00, v11  }
0x73: {  	v4 =	vadd.f32 v14, v4;
	v9 =	vmul.f32 v9, v17;
	v12 =	vmul.f32 v12, v16  }
0x74: {  	v14 =	vmax.f32 v2, $0.0e+00;
	v13 =	vmul.f32 v13, v7;
	v11 =	vmul.f32 $1.442695020e+00, v11  }
0x75: {  	vm0 =	vge.f32 v2, $-8.472978470e-01;
	v2 =	vadd.f32 $9.996203780e-01, v9;
	v12 =	vadd.f32 v12, v14  }
0x76: {  	s31 =	simm.s32 $0x180;
	s25 =	simm.s32 $0x30;
	v9 =	vadd.f32 $-4.866430760e-01, v13;
	v10 =	vshll.u32 v10, $0x8;
	(erf) = vpow2.f32 v11  }
0x77: {  	s26 =	simm.s32 $0x30;
	s24 =	sand.u32 $0x70, s25;
	s23 =	sand.u32 $0xC00, s31;
	v11 =	vnsel vm0, $0x0, v12;
	v12 =	vmul.f32 v2, v17;
	v2 =	vxor.u32 v15, v10  }
0x78: {  	s25 =	sand.u32 $0x3000, s26;
	s31 =	simm.s32 $0xC;
	s23 =	sor.u32 s23, s24;
	v9 =	vmul.f32 v9, v7;
	v13 =	vand.u32 $0x7FFFFFFF, v2  }
0x79: {  	vm1 =	vge.f32 v8, $-8.472978470e-01;
	s26 =	sand.u32 $0x380, s31;
	s23 =	sor.u32 s25, s23;
	v10 =	vmax.f32 v8, $0.0e+00;
	v8 =	vsub.f32 $0.0e+00, v13;
	v14 =	vpop (erf)  }
0x7a: {  	s23 =	sor.u32 s26, s23;
	v15 =	vsel vm0, $0x3F800000, v0;
	v9 =	vadd.f32 $9.996203780e-01, v9;
	v13 =	vmul.f32 $-7.473614810e-02, v14  }
0x7b: {  	v3 =	vadd.f32 v11, v3;
	v10 =	vadd.f32 v12, v10;
	v12 =	vld [tilespmem:s23+$0xC000];
	v8 =	vmul.f32 $1.442695020e+00, v8  }
0x7c: {  	s24 =	simm.s32 $0x200;
	s31 =	simm.s32 $0x40;
	v4 =	vadd.f32 v15, v4;
	v7 =	vmul.f32 v9, v7;
	v9 =	vld [tilespmem:s23+$0x8000];
	v11 =	vadd.f32 $2.546222210e-01, v13  }
0x7d: {  	s25 =	sand.u32 $0x70, s31;
	s24 =	sand.u32 $0xC00, s24;
	s26 =	simm.s32 $0x40;
	v13 =	vsel vm1, $0x3F800000, v0;
	(erf) = vpow2.f32 v8  }
0x7e: {  	s31 =	simm.s32 $0x10;
	s24 =	sor.u32 s24, s25;
	s26 =	sand.u32 $0x3000, s26;
	v13 =	vadd.f32 v13, v4;
	v4 =	vmax.f32 v5, $0.0e+00;
	v11 =	vmul.f32 v11, v14  }
0x7f: {  	s24 =	sor.u32 s26, s24;
	vm0 =	vge.f32 v5, $-8.472978470e-01;
	s23 =	sand.u32 $0x380, s31;
	v10 =	vnsel vm1, $0x0, v10;
	v4 =	vadd.f32 v7, v4  }
0x80: {  	s23 =	sor.u32 s23, s24;
	v3 =	vadd.f32 v10, v3;
	v5 =	vshll.u32 v12, $0x8;
	v8 =	vpop (erf);
	v10 =	vadd.f32 $-4.866430760e-01, v11  }
0x81: {  	v7 =	vld [tilespmem:s23+$0xC000];
	v11 =	vmul.f32 $-7.473614810e-02, v8;
	v15 =	vnsel vm0, $0x0, v4;
	v4 =	vxor.u32 v9, v5  }
0x82: {  	v12 =	vld [tilespmem:s23+$0x8000];
	v5 =	vmul.f32 v10, v14;
	v10 =	vadd.f32 v15, v3;
	v3 =	vand.u32 $0x7FFFFFFF, v4  }
0x83: {  	v3 =	vsub.f32 $0.0e+00, v3  }
0x84: {  	s25 =	simm.s32 $0x50;
	s31 =	simm.s32 $0x280;
	v9 =	vadd.f32 $2.546222210e-01, v11;
	v11 =	vsel vm0, $0x3F800000, v0  }
0x85: {  	s26 =	simm.s32 $0x50;
	s24 =	sand.u32 $0x70, s25;
	s23 =	sand.u32 $0xC00, s31;
	v11 =	vadd.f32 v11, v13;
	v13 =	vmul.f32 $1.442695020e+00, v3  }
0x86: {  	s25 =	sand.u32 $0x3000, s26;
	s31 =	simm.s32 $0x14;
	s23 =	sor.u32 s23, s24;
	v7 =	vshll.u32 v7, $0x8;
	v5 =	vadd.f32 $9.996203780e-01, v5  }
0x87: {  	s31 =	sand.u32 $0x380, s31;
	s23 =	sor.u32 s25, s23;
	v9 =	vmul.f32 v9, v8;
	v3 =	vxor.u32 v12, v7;
	v12 =	vpop (erf);
	(erf) = vpow2.f32 v13  }
0x88: {  	s24 =	sor.u32 s31, s23;
	v7 =	vmul.f32 v5, v14  }
0x89: {  	v15 =	vmax.f32 v6, $0.0e+00;
	v14 =	vand.u32 $0x7FFFFFFF, v3;
	v9 =	vadd.f32 $-4.866430760e-01, v9;
	v5 =	vld [tilespmem:s24+$0xC000]  }
0x8a: {  	s28 =	simm.s32 $0x60;
	v16 =	vmul.f32 $-7.473614810e-02, v12;
	v14 =	vsub.f32 $0.0e+00, v14;
	v17 =	vadd.f32 v7, v15;
	v7 =	vld [tilespmem:s24+$0x8000]  }
0x8b: {  	s26 =	simm.s32 $0x18;
	s23 =	simm.s32 $0x300;
	vm0 =	vge.f32 v6, $-8.472978470e-01;
	s24 =	simm.s32 $0x60;
	v13 =	vmul.f32 v9, v8  }
0x8c: {  	s25 =	simm.s32 $0x7;
	s30 =	sand.u32 $0xC00, s23;
	s29 =	sand.u32 $0x70, s24;
	v15 =	vmul.f32 $1.442695020e+00, v14;
	v14 =	vadd.f32 $2.546222210e-01, v16;
	v6 =	vnsel vm0, $0x0, v17  }
.LBB2_4:
0x8d: {  	p0 =	sne.s32 s25, $0x3FF;
	s28 =	sand.u32 $0x3000, s28;
	s29 =	sor.u32 s30, s29;
	v9 =	vadd.f32 $9.996203780e-01, v13;
	v10 =	vadd.f32 v6, v10;
	v6 =	vsel vm0, $0x3F800000, v0  }
0x8e: {  	s26 =	sand.u32 $0x380, s26;
	s28 =	sor.u32 s28, s29;
	v5 =	vshll.u32 v5, $0x8;
	(erf) = vpow2.f32 v15;
	v13 =	vmul.f32 v14, v12  }
.Ltmp1:
0x8f: {  	v11 =	vadd.f32 v6, v11;
	s26 =	sor.u32 s26, s28;
	v16 =	vxor.u32 v7, v5;
	v9 =	vmul.f32 v9, v8;
	v8 =	vmovc v12;
	(pc) =	sbr.rel @p0 .LBB2_4-.Ltmp1, $4  }
0x90: {  	v14 =	vmax.f32 v1, $0.0e+00;
	v5 =	vld [tilespmem:s26+$0xC000];
	v6 =	vand.u32 $0x7FFFFFFF, v16;
	v12 =	vpop (erf);
	v13 =	vadd.f32 $-4.866430760e-01, v13  }
0x91: {  	s23 =	sadd.s32 $0x80, s23;
	v7 =	vld [tilespmem:s26+$0x8000];
	v6 =	vsub.f32 $0.0e+00, v6;
	v17 =	vmul.f32 $-7.473614810e-02, v12;
	v9 =	vadd.f32 v9, v14  }
0x92: {  	s24 =	sadd.s32 $0x10, s24;
	vm0 =	vge.f32 v1, $-8.472978470e-01;
	v1 =	vmovc v2;
	v2 =	vmovc v4;
	v4 =	vmov v3;
	s28 =	sshll.u32 s25, $0x4;
	s26 =	sshll.u32 s25, $0x2;
	v13 =	vmul.f32 v13, v8  }
0x93: {  	s29 =	sand.u32 $0x70, s24;
	s30 =	sand.u32 $0xC00, s23;
	v3 =	vmovc v16;
	s25 =	sadd.s32 $0x1, s25;
	v15 =	vmul.f32 $1.442695020e+00, v6;
	v14 =	vadd.f32 $2.546222210e-01, v17;
	v6 =	vnsel vm0, $0x0, v9  }
0x94: {  	s23 =	sand.u32 $0x3000, s28;
	s24 =	sor.u32 s30, s29  }
0x95: {  	s25 =	sand.u32 $0x380, s26;
	s23 =	sor.u32 s23, s24  }
0x96: {  	s23 =	sor.u32 s25, s23  }
0x97: {  	v16 =	vld [tilespmem:s23+$0xC000]  }
0x98: {  	v17 =	vld [tilespmem:s23+$0x8000];
	_ =	sdelay $0x2  }
0x99: {  	v5 =	vshll.u32 v5, $0x8  }
0x9a: {  	v9 =	vxor.u32 v7, v5;
	v5 =	vshll.u32 v16, $0x8  }
0x9b: {  	v7 =	vand.u32 $0x7FFFFFFF, v9;
	v5 =	vxor.u32 v17, v5  }
0x9c: {  	v7 =	vsub.f32 $0.0e+00, v7;
	v59 =	vand.u32 $0x7FFFFFFF, v5  }
0x9d: {  	v16 =	vsub.f32 $0.0e+00, v59  }
0x9e: {  	v7 =	vmul.f32 $1.442695020e+00, v7  }
0x9f: {  	(erf) = vpow2.f32 v15;
	v15 =	vmul.f32 $1.442695020e+00, v16  }
0xa0: {  	(erf) = vpow2.f32 v7  }
0xa1: {  	(erf) = vpow2.f32 v15;
	_ =	sdelay $0x5  }
0xa2: {  	v15 =	vpop (erf)  }
0xa3: {  	v14 =	vmul.f32 v14, v12;
	v60 =	vpop (erf)  }
0xa4: {  	v61 =	vpop (erf)  }
0xa5: {  	v14 =	vadd.f32 $-4.866430760e-01, v14;
	v18 =	vmul.f32 $-7.473614810e-02, v15;
	v7 =	vpop (erf)  }
0xa6: {  	v13 =	vadd.f32 $9.996203780e-01, v13;
	s31 =	simm.s32 $0x0;
	_ =	swait.ge [sflag:s15], $0x4000  }
0xa7: {  	s24 =	simm.s32 $0x0;
	s25 =	simm.s32 $0x0;
	v14 =	vmul.f32 v14, v12;
	v18 =	vadd.f32 $2.546222210e-01, v18;
	[sflag:s15] =	ssyncset.done $0x0  }
0xa8: {  	v6 =	vadd.f32 v6, v10;
	s26 =	sand.u32 $0x70, s24;
	v8 =	vmul.f32 v13, v8;
	s23 =	sand.u32 $0xC00, s24;
	[sflag:s15] =	ssyncadd.s32 $0xFFFFC000  }
0xa9: {  	v13 =	vmax.f32 v1, $0.0e+00;
	s24 =	sand.u32 $0x3000, s25;
	s23 =	sor.u32 s23, s26;
	v14 =	vadd.f32 $9.996203780e-01, v14;
	v18 =	vmul.f32 v18, v15;
	_ =	swait.ge [sflag:s16], $0x4000  }
0xaa: {  	v10 =	vsel vm0, $0x3F800000, v0;
	vm0 =	vge.f32 v1, $-8.472978470e-01;
	s26 =	sand.u32 $0x380, s31;
	v8 =	vadd.f32 v8, v13;
	s23 =	sor.u32 s24, s23;
	[sflag:s16] =	ssyncset.done $0x0  }
0xab: {  	v10 =	vadd.f32 v10, v11;
	s23 =	sor.u32 s26, s23;
	v1 =	vmul.f32 v14, v12;
	v12 =	vadd.f32 $-4.866430760e-01, v18;
	[sflag:s16] =	ssyncadd.s32 $0xFFFFC000  }
0xac: {  	v8 =	vnsel vm0, $0x0, v8;
	v14 =	vmax.f32 v2, $0.0e+00;
	v62 =	vmul.f32 $-7.473614810e-02, v60;
	v11 =	vld [tilespmem:s23+$0x4000]  }
0xad: {  	s25 =	simm.s32 $0x10;
	s31 =	simm.s32 $0x80;
	v6 =	vadd.f32 v8, v6;
	v1 =	vadd.f32 v1, v14;
	v8 =	vmul.f32 v12, v15;
	v13 =	vld [tilespmem:s23+$0x0]  }
0xae: {  	s24 =	sand.u32 $0x70, s25;
	s26 =	simm.s32 $0x10;
	v12 =	vsel vm0, $0x3F800000, v0;
	vm0 =	vge.f32 v2, $-8.472978470e-01;
	v2 =	vadd.f32 $2.546222210e-01, v62;
	s23 =	sand.u32 $0xC00, s31  }
0xaf: {  	s25 =	sand.u32 $0x3000, s26;
	v1 =	vnsel vm0, $0x0, v1;
	v8 =	vadd.f32 $9.996203780e-01, v8;
	s31 =	simm.s32 $0x4;
	s23 =	sor.u32 s23, s24  }
0xb0: {  	v10 =	vadd.f32 v12, v10;
	v12 =	vadd.f32 v1, v6;
	v1 =	vmul.f32 v2, v60;
	s26 =	sand.u32 $0x380, s31;
	s23 =	sor.u32 s25, s23  }
0xb1: {  	v14 =	vmul.f32 $-7.473614810e-02, v61;
	v2 =	vmul.f32 v8, v15;
	s23 =	sor.u32 s26, s23;
	v11 =	vshll.u32 v11, $0x8  }
0xb2: {  	v1 =	vadd.f32 $-4.866430760e-01, v1;
	v8 =	vld [tilespmem:s23+$0x4000];
	v6 =	vxor.u32 v13, v11;
	v13 =	vmax.f32 v4, $0.0e+00  }
0xb3: {  	v11 =	vand.u32 $0x7FFFFFFF, v6;
	v2 =	vadd.f32 v2, v13;
	v13 =	vadd.f32 $2.546222210e-01, v14  }
0xb4: {  	vm1 =	vge.f32 v4, $-8.472978470e-01;
	s31 =	simm.s32 $0x100;
	s25 =	simm.s32 $0x20;
	v15 =	vld [tilespmem:s23+$0x0];
	v4 =	vsel vm0, $0x3F800000, v0;
	v11 =	vsub.f32 $0.0e+00, v11  }
0xb5: {  	v1 =	vmul.f32 v1, v60;
	s26 =	simm.s32 $0x20;
	s24 =	sand.u32 $0x70, s25;
	s23 =	sand.u32 $0xC00, s31;
	v4 =	vadd.f32 v4, v10;
	v10 =	vmul.f32 v13, v61  }
0xb6: {  	s31 =	simm.s32 $0x8;
	s25 =	sand.u32 $0x3000, s26;
	s23 =	sor.u32 s23, s24;
	v13 =	vmul.f32 $-7.473614810e-02, v7;
	v11 =	vmul.f32 $1.442695020e+00, v11  }
0xb7: {  	s26 =	sand.u32 $0x380, s31;
	s23 =	sor.u32 s25, s23;
	v2 =	vnsel vm1, $0x0, v2;
	v8 =	vshll.u32 v8, $0x8  }
0xb8: {  	s23 =	sor.u32 s26, s23;
	v13 =	vadd.f32 $2.546222210e-01, v13;
	(erf) = vpow2.f32 v11;
	v11 =	vadd.f32 $9.996203780e-01, v1  }
0xb9: {  	v1 =	vxor.u32 v15, v8;
	v8 =	vadd.f32 v2, v12;
	v2 =	vadd.f32 $-4.866430760e-01, v10;
	v10 =	vld [tilespmem:s23+$0x4000]  }
0xba: {  	vm0 =	vge.f32 v3, $-8.472978470e-01;
	v14 =	vsel vm1, $0x3F800000, v0;
	v12 =	vand.u32 $0x7FFFFFFF, v1  }
0xbb: {  	v15 =	vld [tilespmem:s23+$0x0];
	v13 =	vmul.f32 v13, v7;
	v12 =	vsub.f32 $0.0e+00, v12;
	v11 =	vmul.f32 v11, v60  }
0xbc: {  	v4 =	vadd.f32 v14, v4;
	v14 =	vmax.f32 v3, $0.0e+00;
	v2 =	vmul.f32 v2, v61  }
0xbd: {  	v3 =	vadd.f32 $-4.866430760e-01, v13;
	v12 =	vmul.f32 $1.442695020e+00, v12;
	v11 =	vadd.f32 v11, v14  }
0xbe: {  	vm1 =	vge.f32 v9, $-8.472978470e-01;
	v2 =	vadd.f32 $9.996203780e-01, v2;
	v10 =	vshll.u32 v10, $0x8  }
0xbf: {  	s31 =	simm.s32 $0x180;
	s25 =	simm.s32 $0x30;
	v3 =	vmul.f32 v3, v7;
	(erf) = vpow2.f32 v12;
	v11 =	vnsel vm0, $0x0, v11  }
0xc0: {  	s26 =	simm.s32 $0x30;
	s24 =	sand.u32 $0x70, s25;
	s23 =	sand.u32 $0xC00, s31;
	v12 =	vmul.f32 v2, v61;
	v2 =	vxor.u32 v15, v10;
	v10 =	vmax.f32 v9, $0.0e+00  }
0xc1: {  	s25 =	sand.u32 $0x3000, s26;
	s31 =	simm.s32 $0xC;
	s23 =	sor.u32 s23, s24;
	v15 =	vsel vm0, $0x3F800000, v0;
	v13 =	vand.u32 $0x7FFFFFFF, v2;
	v3 =	vadd.f32 $9.996203780e-01, v3;
	v14 =	vpop (erf)  }
0xc2: {  	s26 =	sand.u32 $0x380, s31;
	s23 =	sor.u32 s25, s23;
	v8 =	vadd.f32 v11, v8;
	v9 =	vsub.f32 $0.0e+00, v13;
	v13 =	vmul.f32 $-7.473614810e-02, v14  }
0xc3: {  	s23 =	sor.u32 s26, s23;
	v4 =	vadd.f32 v15, v4;
	v10 =	vadd.f32 v12, v10;
	v3 =	vmul.f32 v3, v7  }
0xc4: {  	s24 =	simm.s32 $0x200;
	s31 =	simm.s32 $0x40;
	v12 =	vld [tilespmem:s23+$0x4000];
	v7 =	vsel vm1, $0x3F800000, v0;
	v9 =	vmul.f32 $1.442695020e+00, v9;
	v11 =	vadd.f32 $2.546222210e-01, v13  }
0xc5: {  	s25 =	sand.u32 $0x70, s31;
	s24 =	sand.u32 $0xC00, s24;
	s26 =	simm.s32 $0x40;
	v4 =	vadd.f32 v7, v4;
	v7 =	vmax.f32 v5, $0.0e+00;
	v13 =	vld [tilespmem:s23+$0x0]  }
0xc6: {  	s31 =	simm.s32 $0x10;
	s24 =	sor.u32 s24, s25;
	s26 =	sand.u32 $0x3000, s26;
	(erf) = vpow2.f32 v9;
	v9 =	vmul.f32 v11, v14  }
0xc7: {  	s24 =	sor.u32 s26, s24;
	vm0 =	vge.f32 v5, $-8.472978470e-01;
	s23 =	sand.u32 $0x380, s31  }
0xc8: {  	v10 =	vnsel vm1, $0x0, v10;
	v3 =	vadd.f32 v3, v7;
	s23 =	sor.u32 s23, s24;
	v7 =	vpop (erf);
	v9 =	vadd.f32 $-4.866430760e-01, v9  }
0xc9: {  	v8 =	vadd.f32 v10, v8;
	v5 =	vshll.u32 v12, $0x8;
	v10 =	vld [tilespmem:s23+$0x4000];
	v12 =	vmul.f32 $-7.473614810e-02, v7  }
0xca: {  	v15 =	vnsel vm0, $0x0, v3;
	v3 =	vxor.u32 v13, v5;
	v9 =	vmul.f32 v9, v14  }
0xcb: {  	v11 =	vld [tilespmem:s23+$0x0];
	v5 =	vadd.f32 v15, v8;
	v8 =	vand.u32 $0x7FFFFFFF, v3;
	v12 =	vadd.f32 $2.546222210e-01, v12  }
0xcc: {  	v13 =	vsel vm0, $0x3F800000, v0;
	v15 =	vsub.f32 $0.0e+00, v8;
	v9 =	vadd.f32 $9.996203780e-01, v9  }
0xcd: {  	s25 =	simm.s32 $0x50;
	s31 =	simm.s32 $0x280;
	v8 =	vadd.f32 v13, v4  }
0xce: {  	s26 =	simm.s32 $0x50;
	s24 =	sand.u32 $0x70, s25;
	s23 =	sand.u32 $0xC00, s31;
	v4 =	vshll.u32 v10, $0x8;
	v10 =	vmul.f32 v12, v7;
	v12 =	vmul.f32 $1.442695020e+00, v15  }
0xcf: {  	s25 =	sand.u32 $0x3000, s26;
	s31 =	simm.s32 $0x14;
	s23 =	sor.u32 s23, s24  }
0xd0: {  	s31 =	sand.u32 $0x380, s31;
	s23 =	sor.u32 s25, s23;
	v4 =	vxor.u32 v11, v4;
	v11 =	vmul.f32 v9, v14;
	v9 =	vpop (erf);
	(erf) = vpow2.f32 v12  }
0xd1: {  	s25 =	sor.u32 s31, s23;
	v14 =	vadd.f32 $-4.866430760e-01, v10;
	v10 =	vmax.f32 v6, $0.0e+00  }
0xd2: {  	v13 =	vand.u32 $0x7FFFFFFF, v4;
	v63 =	vadd.f32 v11, v10;
	v10 =	vld [tilespmem:s25+$0x4000]  }
0xd3: {  	s28 =	simm.s32 $0x60;
	vm0 =	vge.f32 v6, $-8.472978470e-01;
	v13 =	vsub.f32 $0.0e+00, v13;
	v6 =	vld [tilespmem:s25+$0x0];
	v15 =	vmul.f32 $-7.473614810e-02, v9  }
0xd4: {  	s26 =	simm.s32 $0x18;
	s24 =	simm.s32 $0x60;
	s23 =	simm.s32 $0x300;
	v11 =	vmul.f32 v14, v7  }
0xd5: {  	s29 =	sand.u32 $0x70, s24;
	s30 =	sand.u32 $0xC00, s23;
	s25 =	simm.s32 $0x7;
	v14 =	vmul.f32 $1.442695020e+00, v13;
	v13 =	vnsel vm0, $0x0, v63;
	v12 =	vadd.f32 $2.546222210e-01, v15  }
.LBB2_6:
0xd6: {  	p0 =	sne.s32 s25, $0x3FF;
	s28 =	sand.u32 $0x3000, s28;
	s29 =	sor.u32 s30, s29;
	v11 =	vadd.f32 $9.996203780e-01, v11;
	v5 =	vadd.f32 v13, v5;
	v13 =	vsel vm0, $0x3F800000, v0  }
0xd7: {  	s26 =	sand.u32 $0x380, s26;
	s28 =	sor.u32 s28, s29;
	v10 =	vshll.u32 v10, $0x8;
	(erf) = vpow2.f32 v14;
	v12 =	vmul.f32 v12, v9  }
.Ltmp2:
0xd8: {  	v8 =	vadd.f32 v13, v8;
	s26 =	sor.u32 s26, s28;
	v15 =	vxor.u32 v6, v10;
	v11 =	vmul.f32 v11, v7;
	v7 =	vmovc v9;
	(pc) =	sbr.rel @p0 .LBB2_6-.Ltmp2, $4  }
0xd9: {  	v14 =	vmax.f32 v1, $0.0e+00;
	v10 =	vld [tilespmem:s26+$0x4000];
	v13 =	vand.u32 $0x7FFFFFFF, v15;
	v9 =	vpop (erf);
	v12 =	vadd.f32 $-4.866430760e-01, v12  }
0xda: {  	s23 =	sadd.s32 $0x80, s23;
	v6 =	vld [tilespmem:s26+$0x0];
	v13 =	vsub.f32 $0.0e+00, v13;
	v16 =	vmul.f32 $-7.473614810e-02, v9;
	v17 =	vadd.f32 v11, v14  }
0xdb: {  	s24 =	sadd.s32 $0x10, s24;
	vm0 =	vge.f32 v1, $-8.472978470e-01;
	v1 =	vmovc v2;
	v2 =	vmovc v3;
	v3 =	vmov v4;
	s28 =	sshll.u32 s25, $0x4;
	s26 =	sshll.u32 s25, $0x2;
	v11 =	vmul.f32 v12, v7  }
0xdc: {  	s29 =	sand.u32 $0x70, s24;
	s30 =	sand.u32 $0xC00, s23;
	v4 =	vmovc v15;
	s25 =	sadd.s32 $0x1, s25;
	v14 =	vmul.f32 $1.442695020e+00, v13;
	v12 =	vadd.f32 $2.546222210e-01, v16;
	v13 =	vnsel vm0, $0x0, v17  }
0xdd: {  	s23 =	sand.u32 $0x3000, s28;
	s24 =	sor.u32 s30, s29  }
0xde: {  	s25 =	sand.u32 $0x380, s26;
	s23 =	sor.u32 s23, s24  }
0xdf: {  	s23 =	sor.u32 s25, s23  }
0xe0: {  	v15 =	vld [tilespmem:s23+$0x4000]  }
0xe1: {  	v16 =	vld [tilespmem:s23+$0x0];
	_ =	sdelay $0x1  }
0xe2: {  	v10 =	vshll.u32 v10, $0x8  }
0xe3: {  	v6 =	vxor.u32 v6, v10  }
0xe4: {  	v10 =	vand.u32 $0x7FFFFFFF, v6;
	v15 =	vshll.u32 v15, $0x8  }
0xe5: {  	v10 =	vsub.f32 $0.0e+00, v10;
	v15 =	vxor.u32 v16, v15  }
0xe6: {  	v36 =	vand.u32 $0x7FFFFFFF, v15  }
0xe7: {  	(erf) = vpow2.f32 v14;
	v10 =	vmul.f32 $1.442695020e+00, v10;
	v14 =	vsub.f32 $0.0e+00, v36;
	_ =	sdelay $0x1  }
0xe8: {  	(erf) = vpow2.f32 v10;
	v37 =	vmul.f32 $1.442695020e+00, v14;
	_ =	sdelay $0x1  }
0xe9: {  	v38 =	vpop (erf);
	(erf) = vpow2.f32 v37  }
0xea: {  	v11 =	vadd.f32 $9.996203780e-01, v11;
	v5 =	vadd.f32 v13, v5;
	v39 =	vmul.f32 $-7.473614810e-02, v38  }
0xeb: {  	v41 =	vmax.f32 v1, $0.0e+00;
	v42 =	vsel vm0, $0x3F800000, v0;
	v12 =	vmul.f32 v12, v9  }
0xec: {  	vm10 =	vge.f32 v1, $-8.472978470e-01;
	v7 =	vmul.f32 v11, v7;
	v10 =	vadd.f32 $2.546222210e-01, v39  }
0xed: {  	v50 =	vmax.f32 v2, $0.0e+00;
	vm11 =	vge.f32 v2, $-8.472978470e-01;
	v40 =	vadd.f32 $-4.866430760e-01, v12  }
0xee: {  	v55 =	vmax.f32 v3, $0.0e+00;
	v7 =	vadd.f32 v7, v41;
	v43 =	vpop (erf);
	v44 =	vmul.f32 v10, v38  }
0xef: {  	v8 =	vadd.f32 v42, v8;
	v11 =	vmul.f32 v40, v9;
	v45 =	vmul.f32 $-7.473614810e-02, v43  }
0xf0: {  	v46 =	vsel vm10, $0x3F800000, v0;
	v1 =	vnsel vm10, $0x0, v7;
	v7 =	vadd.f32 $-4.866430760e-01, v44;
	v47 =	vpop (erf)  }
0xf1: {  	v11 =	vadd.f32 $9.996203780e-01, v11;
	v10 =	vadd.f32 $2.546222210e-01, v45;
	v49 =	vmul.f32 $-7.473614810e-02, v47  }
0xf2: {  	v1 =	vadd.f32 v1, v5;
	v5 =	vadd.f32 v46, v8;
	v7 =	vmul.f32 v7, v38;
	v51 =	vpop (erf)  }
0xf3: {  	v10 =	vmul.f32 v10, v43;
	v8 =	vadd.f32 $2.546222210e-01, v49;
	v52 =	vmul.f32 $-7.473614810e-02, v51  }
0xf4: {  	vm12 =	vge.f32 v3, $-8.472978470e-01;
	v48 =	vmul.f32 v11, v9;
	v2 =	vadd.f32 $9.996203780e-01, v7  }
0xf5: {  	v53 =	vadd.f32 $-4.866430760e-01, v10;
	v8 =	vmul.f32 v8, v47;
	v54 =	vadd.f32 $2.546222210e-01, v52  }
0xf6: {  	v58 =	vmax.f32 v4, $0.0e+00;
	v9 =	vadd.f32 v48, v50;
	v2 =	vmul.f32 v2, v38  }
0xf7: {  	v7 =	vmul.f32 v53, v43;
	v8 =	vadd.f32 $-4.866430760e-01, v8;
	v10 =	vmul.f32 v54, v51  }
0xf8: {  	vm13 =	vge.f32 v4, $-8.472978470e-01;
	v9 =	vnsel vm11, $0x0, v9;
	v2 =	vadd.f32 v2, v55  }
0xf9: {  	v7 =	vadd.f32 $9.996203780e-01, v7;
	v3 =	vmul.f32 v8, v47;
	v57 =	vadd.f32 $-4.866430760e-01, v10  }
0xfa: {  	v56 =	vsel vm11, $0x3F800000, v0;
	v1 =	vadd.f32 v9, v1;
	v2 =	vnsel vm12, $0x0, v2  }
0xfb: {  	v7 =	vmul.f32 v7, v43;
	v3 =	vadd.f32 $9.996203780e-01, v3;
	v8 =	vmul.f32 v57, v51  }
0xfc: {  	v5 =	vadd.f32 v56, v5;
	v1 =	vadd.f32 v2, v1;
	v2 =	vsel vm12, $0x3F800000, v0  }
0xfd: {  	v7 =	vadd.f32 v7, v58;
	v3 =	vmul.f32 v3, v47;
	v59 =	vadd.f32 $9.996203780e-01, v8  }
0xfe: {  	v62 =	vsel vm13, $0x3F800000, v0;
	v61 =	vmax.f32 v6, $0.0e+00;
	v2 =	vadd.f32 v2, v5  }
0xff: {  	v60 =	vnsel vm13, $0x0, v7;
	v3 =	vadd.f32 v3, v61;
	v4 =	vmul.f32 v59, v51  }
0x100: {  	vm14 =	vge.f32 v6, $-8.472978470e-01;
	v63 =	vmax.f32 v15, $0.0e+00;
	v1 =	vadd.f32 v60, v1  }
0x101: {  	v2 =	vadd.f32 v62, v2;
	v3 =	vnsel vm14, $0x0, v3;
	v4 =	vadd.f32 v4, v63  }
0x102: {  	vm15 =	vge.f32 v15, $-8.472978470e-01;
	v1 =	vadd.f32 v3, v1;
	v3 =	vsel vm14, $0x3F800000, v0  }
0x103: {  	v2 =	vadd.f32 v3, v2;
	v3 =	vnsel vm15, $0x0, v4  }
0x104: {  	v1 =	vadd.f32 v3, v1;
	v3 =	vsel vm15, $0x3F800000, v0  }
0x105: {  	v2 =	vadd.f32 v3, v2  }
0x106: {  	[tilespmem:$0x10000] =	vst v1  }
0x107: {  	[tilespmem:$0x10080] =	vst v2  }
0x108: {  	[hbm4b:s7+s2] =	stream.linear.scatter [tilespmem:s19], [sflag:$0x5], $0x80, $0x38;
	[tilespmem:$0x10100] =	vst v63  }
0x109: {  	s22 =	sadd.s32 $0x1, s22;
	_ =	swait.ge [sflag:s20], $0x80  }
0x10a: {  	p0 =	sne.s32 s22, s11;
	[sflag:s20] =	ssyncset.done $0x0  }
.Ltmp3:
0x10b: {  	[sflag:s20] =	ssyncadd.s32 $0xFFFFFF80;
	(pc) =	sbr.rel @p0 .LBB2_1-.Ltmp3, $4  }
0x10c: {  	[hbm4b:s10+s2] =	stream.linear.scatter [tilespmem:s21], [sflag:$0x5], $0x80, $0x38;
	[tilespmem:$0x10100] =	vst v63  }
0x10d: {  	_ =	swait.ge [sflag:s20], $0x80  }
0x10e: {  	[sflag:s20] =	ssyncset.done $0x0  }
0x10f: {  	[sflag:s20] =	ssyncadd.s32 $0xFFFFFF80  }
0x110: {  	_ =	sfence.sel $0x180000  }
0x111: {  	[bflag:$0x0] =	sbarrier.arrive $0xFFFF  }
0x112: {  	p0 =	sne.s32 s0, $0x0;
	_ =	strace $0x90000047  }
0x113: {  	s0 =	sadd.s32 @!p0 $0x100000, s1;
	[bflag:$0x2] =	sbarrier.arrive $0xFFFF  }
0x114: {  	[sflag:s0] =	ssyncadd.tile.s32 @!p0 $0x1;
	_ =	shalt  }
.Lfunc_end2:
_tile_overlayer_lowered:
.L_overlay_start_2:
0x115: {  	(tag) =	ssettag $0x2  }
0x116: {  	s0 =	rddreg [dreg:$0x0];
	s2 =	stileid.u32  }
0x117: {  	s1 =	rddreg [dreg:$0x1];
	p0 =	sne.s32 s2, $0x0  }
0x118: {  	s3 =	rddreg [dreg:$0x2];
	[bflag:$0x3] =	sbarrier.arrive $0xFFFF;
	s2 =	simm.s32 @!p0 $0x1C05  }
0x119: {  	[timem:s3], [sflag:s2] =	dma.local @!p0 [hbm:s0], s1  }
0x11a: {  	s0 =	simm.s32 @!p0 $0x5  }
0x11b: {  	_ =	swait.ge @!p0 [sflag:s0], s1  }
0x11c: {  	s1 =	ssub.s32 @!p0 $0x0, s1;
	[sflag:s0] =	ssyncset.done @!p0 $0x0  }
0x11d: {  	[sflag:s0] =	ssyncadd.s32 @!p0 s1  }
0x11e: {  	[bflag:$0x3] =	sbarrier.arrive $0xFFFF  }
0x11f: {  	_ =	shalt  }

</sc_bundles>
